<compile_context>
chip_gen: v7x
topology: tpu7x:2x2x1
jax: 0.10.2.dev20260603
libtpu: 0.0.44.dev20260713+nightly
codegen_flags: <defaults>
</compile_context>

<pallas_src>
import jax
import jax.numpy as jnp
from jax import lax
from jax.experimental import pallas as pl
from jax.experimental.pallas import tpu as pltpu
from jax.experimental.pallas import tpu_sc as plsc

import numpy as np

_BBOX_XFORM_CLIP = float(np.log(1000.0 / 16.0))
_L = 16


def _build_sc_call(N, A, H, W):
    A4 = 4 * A
    HW = H * W
    NW = 32
    R = N * HW * A
    RW = R // NW
    NB = RW // 128
    HROWS = H // (NW // N)
    PHW = HROWS * W
    assert RW == PHW * A and NB % A == 0

    mesh = plsc.VectorSubcoreMesh(core_axis_name="c", subcore_axis_name="s")

    def body(obj_hbm, del_hbm, anch_hbm, p_hbm, ob_hbm,
             o_v, d_v, a_v, p_v, ob_v, sem):
        cid = lax.axis_index("c")
        sid = lax.axis_index("s")
        wid = sid * 2 + cid
        n = wid // (NW // N)
        h0 = (wid % (NW // N)) * HROWS

        HR2 = HROWS // 2
        halves = []
        for hh in range(2):
            halves.append([
                pltpu.async_copy(
                    obj_hbm.at[n, :, pl.ds(h0 + hh * HR2, HR2), :],
                    o_v.at[:, pl.ds(hh * HR2, HR2), :], sem),
                pltpu.async_copy(
                    del_hbm.at[n, :, pl.ds(h0 + hh * HR2, HR2), :],
                    d_v.at[:, pl.ds(hh * HR2, HR2), :], sem),
                pltpu.async_copy(
                    anch_hbm.at[pl.ds((2 * wid + hh) * (NB * 256), NB * 256)],
                    a_v.at[pl.ds(hh * (NB * 256), NB * 256)], sem),
            ])

        iota = lax.iota(jnp.int32, _L)

        def chunk(cc):
            t = cc * _L + iota
            q = lax.shift_right_logical(t * 21846, 16)
            a_pat = t - q * A
            h_idx = lax.shift_right_logical(q, 7)
            c_idx = lax.bitwise_and(q, 127)
            a4 = a_pat * 4

            dd = [
                plsc.load_gather(d_v, [a4 + j, h_idx, c_idx])
                for j in range(4)
            ]
            ov = plsc.load_gather(o_v, [a_pat, h_idx, c_idx])

            boff = lax.shift_right_logical(cc, 3) * 512 + \
                lax.bitwise_and(cc, 7) * _L
            ax1 = a_v[pl.ds(boff, _L)]
            ay1 = a_v[pl.ds(boff + 128, _L)]
            ax2 = a_v[pl.ds(boff + 256, _L)]
            ay2 = a_v[pl.ds(boff + 384, _L)]

            w = ax2 - ax1
            h = ay2 - ay1
            cx = ax1 + 0.5 * w
            cy = ay1 + 0.5 * h
            dx = dd[0]
            dy = dd[1]
            dw = jnp.minimum(dd[2], _BBOX_XFORM_CLIP)
            dh = jnp.minimum(dd[3], _BBOX_XFORM_CLIP)
            px = dx * w + cx
            py = dy * h + cy
            hpw = 0.5 * (jnp.exp(dw) * w)
            hph = 0.5 * (jnp.exp(dh) * h)

            p_v[pl.ds(boff, _L)] = px - hpw
            p_v[pl.ds(boff + 128, _L)] = py - hph
            p_v[pl.ds(boff + 256, _L)] = px + hpw
            p_v[pl.ds(boff + 384, _L)] = py + hph
            ob_v[pl.ds(cc * _L, _L)] = ov

        half_chunks = RW // _L // 2
        out_cps = []
        for hh in range(2):
            for cp in halves[hh]:
                cp.wait()
            plsc.parallel_loop(
                hh * half_chunks, (hh + 1) * half_chunks, unroll=4)(chunk)
            out_cps.append(pltpu.async_copy(
                p_v.at[pl.ds(hh * (NB * 256), NB * 256)],
                p_hbm.at[pl.ds((2 * wid + hh) * (NB * 256), NB * 256)], sem))
            out_cps.append(pltpu.async_copy(
                ob_v.at[pl.ds(hh * (RW // 2), RW // 2)],
                ob_hbm.at[pl.ds(wid * RW + hh * (RW // 2), RW // 2)], sem))
        for cp in out_cps:
            cp.wait()

    return pl.kernel(
        body,
        out_type=(
            jax.ShapeDtypeStruct((R * 4,), jnp.float32),
            jax.ShapeDtypeStruct((R,), jnp.float32),
        ),
        mesh=mesh,
        compiler_params=pltpu.CompilerParams(
            needs_layout_passes=False, skip_device_barrier=True),
        scratch_types=[
            pltpu.VMEM((A, HROWS, W), jnp.float32),
            pltpu.VMEM((A4, HROWS, W), jnp.float32),
            pltpu.VMEM((NB * 512,), jnp.float32),
            pltpu.VMEM((NB * 512,), jnp.float32),
            pltpu.VMEM((RW,), jnp.float32),
            pltpu.SemaphoreType.DMA,
        ],
    )


@jax.jit
def kernel(objectness, pred_bbox_deltas, anchors, weights):
    N, AC, H, W = objectness.shape
    A4 = pred_bbox_deltas.shape[1]
    A = A4 // 4
    C = AC // A
    R = N * H * W * A

    anch_lin = anchors.reshape(R // 128, 128, 4).transpose(0, 2, 1).reshape(-1)

    call = _build_sc_call(N, A, H, W)
    del weights
    p_lin, ob_lin = call(objectness, pred_bbox_deltas, anch_lin)

    proposals = (
        p_lin.reshape(N, R // (N * 128), 4, 128)
        .transpose(0, 1, 3, 2)
        .reshape(N, H * W * A, 4)
    )
    obj_flat = ob_lin.reshape(R, C)
    return proposals, obj_flat

# --- scband reference (transcript-rebuilt; emitter-appended) ---
"""Pipeline reference for scband-region-proposoal-network-5686536700072 (READ-ONLY COPY).

The authoritative reference and input builder live on the scoring server;
editing this copy changes nothing except your own understanding.
"""

import jax, jax.numpy as jnp
import numpy as np

BBOX_XFORM_CLIP = float(np.log(1000.0 / 16.0))


def setup_inputs(seed: int = 0):
    key = jax.random.key(seed)
    k1, k2, k3, k4 = jax.random.split(key, 4)
    N, A, C, H, W = 2, 3, 1, 128, 128
    objectness = jax.random.normal(k1, (N, A * C, H, W), dtype=jnp.float32)
    pred_bbox_deltas = jax.random.normal(k2, (N, A * 4, H, W), dtype=jnp.float32) * 0.1
    total = N * A * H * W
    xy = jax.random.uniform(k3, (total, 2), minval=0.0, maxval=800.0, dtype=jnp.float32)
    wh = jax.random.uniform(k4, (total, 2), minval=16.0, maxval=256.0, dtype=jnp.float32)
    anchors = jnp.concatenate([xy, xy + wh], axis=1).astype(jnp.float32)
    weights = jnp.ones((4,), dtype=jnp.float32)
    return {"objectness": objectness, "pred_bbox_deltas": pred_bbox_deltas, "anchors": anchors, "weights": weights}


def _concat_box_prediction_layers(box_cls_levels, box_reg_levels):
    cls_flat = []
    reg_flat = []
    for bc, br in zip(box_cls_levels, box_reg_levels):
        N, AxC, H, W = bc.shape
        Ax4 = br.shape[1]
        A = Ax4 // 4
        C = AxC // A
        bc = bc.reshape(N, A, C, H, W)
        bc = jnp.transpose(bc, (0, 3, 4, 1, 2))
        bc = bc.reshape(N, -1, C)
        br = br.reshape(N, A, 4, H, W)
        br = jnp.transpose(br, (0, 3, 4, 1, 2))
        br = br.reshape(N, -1, 4)
        cls_flat.append(bc)
        reg_flat.append(br)
    C = cls_flat[0].shape[-1]
    box_cls = jnp.concatenate(cls_flat, axis=1).reshape(-1, C)
    box_reg = jnp.concatenate(reg_flat, axis=1).reshape(-1, 4)
    return box_cls, box_reg


def _decode(rel_codes, anchors, weights):
    widths = anchors[:, 2] - anchors[:, 0]
    heights = anchors[:, 3] - anchors[:, 1]
    ctr_x = anchors[:, 0] + 0.5 * widths
    ctr_y = anchors[:, 1] + 0.5 * heights
    wx, wy, ww, wh = weights[0], weights[1], weights[2], weights[3]
    dx = rel_codes[:, 0] / wx
    dy = rel_codes[:, 1] / wy
    dw = jnp.minimum(rel_codes[:, 2] / ww, BBOX_XFORM_CLIP)
    dh = jnp.minimum(rel_codes[:, 3] / wh, BBOX_XFORM_CLIP)
    pred_ctr_x = dx * widths + ctr_x
    pred_ctr_y = dy * heights + ctr_y
    pred_w = jnp.exp(dw) * widths
    pred_h = jnp.exp(dh) * heights
    x1 = pred_ctr_x - 0.5 * pred_w
    y1 = pred_ctr_y - 0.5 * pred_h
    x2 = pred_ctr_x + 0.5 * pred_w
    y2 = pred_ctr_y + 0.5 * pred_h
    return jnp.stack([x1, y1, x2, y2], axis=1)


def reference(objectness, pred_bbox_deltas, anchors, weights):
    num_images = objectness.shape[0]
    obj_flat, deltas_flat = _concat_box_prediction_layers([objectness], [pred_bbox_deltas])
    proposals = _decode(jax.lax.stop_gradient(deltas_flat), anchors, weights)
    proposals = proposals.reshape(num_images, -1, 4)
    return proposals, obj_flat

if __name__ == "__main__":
    import jax
    _d = setup_inputs()
    print(jax.jit(kernel)(*tuple(_d.values())))

</pallas_src>

<mosaic_0001>
#map = affine_map<(d0, d1) -> (0, 0, 0, 0)>
#map1 = affine_map<(d0, d1) -> (0)>
module attributes {stable_mosaic.version = 14 : i64} {
  func.func @body(%arg0: i32, %arg1: i32, %arg2: memref<2x3x128x128xf32, #tpu.memory_space<hbm>>, %arg3: memref<2x12x128x128xf32, #tpu.memory_space<hbm>>, %arg4: memref<393216xf32, #tpu.memory_space<hbm>>, %arg5: memref<393216xf32, #tpu.memory_space<hbm>>, %arg6: memref<98304xf32, #tpu.memory_space<hbm>>, %arg7: memref<3x8x128xf32, #tpu.memory_space<vmem>>, %arg8: memref<12x8x128xf32, #tpu.memory_space<vmem>>, %arg9: memref<12288xf32, #tpu.memory_space<vmem>>, %arg10: memref<12288xf32, #tpu.memory_space<vmem>>, %arg11: memref<3072xf32, #tpu.memory_space<vmem>>, %arg12: memref<!tpu.dma_semaphore, #tpu.memory_space<semaphore_mem>>) attributes {dimension_semantics = [#tpu.dimension_semantics<core_parallel>, #tpu.dimension_semantics<subcore_parallel>], iteration_bounds = array<i64: 2, 16>, scalar_prefetch = 0 : i64, scratch_operands = 6 : i64, tpu.core_type = #tpu.core_type<sc_vector_subcore>, window_params = [{transform_indices = #map}, {transform_indices = #map}, {transform_indices = #map1}, {transform_indices = #map1}, {transform_indices = #map1}]} {
    %mul3A = arith.constant 2 : i32
    %mul3A_0 = arith.muli %arg1, %mul3A : i32
    %add3A = arith.addi %mul3A_0, %arg0 : i32
    %jit3A = arith.constant 16 : i32
    %div3A = arith.divsi %add3A, %jit3A : i32
    %sign3A = arith.constant 0 : i32
    %sign3A_1 = arith.cmpi sgt, %add3A, %sign3A : i32
    %sign3A_2 = arith.extui %sign3A_1 : i1 to i32
    %sign3A_3 = arith.constant 0 : i32
    %sign3A_4 = arith.cmpi slt, %add3A, %sign3A_3 : i32
    %sign3A_5 = arith.extui %sign3A_4 : i1 to i32
    %sign3A_6 = arith.subi %sign3A_2, %sign3A_5 : i32
    %sign3A_7 = arith.constant 0 : i32
    %sign3A_8 = arith.cmpi sgt, %jit3A, %sign3A_7 : i32
    %sign3A_9 = arith.extui %sign3A_8 : i1 to i32
    %sign3A_10 = arith.constant 0 : i32
    %sign3A_11 = arith.cmpi slt, %jit3A, %sign3A_10 : i32
    %sign3A_12 = arith.extui %sign3A_11 : i1 to i32
    %sign3A_13 = arith.subi %sign3A_9, %sign3A_12 : i32
    %ne3A = arith.cmpi ne, %sign3A_6, %sign3A_13 : i32
    %rem3A = arith.remsi %add3A, %jit3A : i32
    %ne3A_14 = arith.constant 0 : i32
    %ne3A_15 = arith.cmpi ne, %rem3A, %ne3A_14 : i32
    %and3A = arith.andi %ne3A, %ne3A_15 : i1
    %sub3A = arith.constant 1 : i32
    %sub3A_16 = arith.subi %div3A, %sub3A : i32
    %select_n3A = arith.select %and3A, %sub3A_16, %div3A : i32
    %jit3A_17 = arith.constant 16 : i32
    %eq3A = arith.constant 0 : i32
    %eq3A_18 = arith.cmpi eq, %jit3A_17, %eq3A : i32
    %jit3A_19 = arith.constant 1 : i32
    %select_n3A_20 = arith.select %eq3A_18, %jit3A_19, %jit3A_17 : i32
    %rem3A_21 = arith.remsi %add3A, %select_n3A_20 : i32
    %ne3A_22 = arith.constant 0 : i32
    %ne3A_23 = arith.cmpi ne, %rem3A_21, %ne3A_22 : i32
    %lt3A = arith.constant 0 : i32
    %lt3A_24 = arith.cmpi slt, %rem3A_21, %lt3A : i32
    %lt3A_25 = arith.constant 0 : i32
    %lt3A_26 = arith.cmpi slt, %select_n3A_20, %lt3A_25 : i32
    %ne3A_27 = arith.xori %lt3A_24, %lt3A_26 : i1
    %and3A_28 = arith.andi %ne3A_27, %ne3A_23 : i1
    %add3A_29 = arith.addi %rem3A_21, %select_n3A_20 : i32
    %select_n3A_30 = arith.select %and3A_28, %add3A_29, %rem3A_21 : i32
    %mul3A_31 = arith.constant 8 : i32
    %mul3A_32 = arith.muli %select_n3A_30, %mul3A_31 : i32
    %add3A_33 = arith.constant 0 : i32
    %add3A_34 = arith.addi %mul3A_32, %add3A_33 : i32
    %dma_start3A = arith.constant 0 : i32
    %dma_start3A_35 = arith.constant 0 : i32
    %dma_start3A_36 = arith.constant 0 : i32
    %dma_start3A_37 = tpu.memref_slice %arg7[%dma_start3A, %dma_start3A_35, %dma_start3A_36] : memref<3x8x128xf32, #tpu.memory_space<vmem>> -> memref<3x4x128xf32, #tpu.memory_space<vmem>>
    %dma_start3A_38 = arith.constant 0 : i32
    %dma_start3A_39 = arith.constant 0 : i32
    %dma_start3A_40 = tpu.memref_slice %arg2[%select_n3A, %dma_start3A_38, %add3A_34, %dma_start3A_39] : memref<2x3x128x128xf32, #tpu.memory_space<hbm>> -> memref<1x3x4x128xf32, #tpu.memory_space<hbm>>
    %dma_start3A_41 = tpu.memref_squeeze %dma_start3A_40 : memref<1x3x4x128xf32, #tpu.memory_space<hbm>> -> memref<3x4x128xf32, #tpu.memory_space<hbm>>
    %dma_start3A_42 = arith.constant 0 : i32
    %dma_start3A_43 = arith.constant 0 : i32
    %dma_start3A_44 = arith.constant 0 : i32
    %dma_start3A_45 = tpu.memref_slice %arg7[%dma_start3A_42, %dma_start3A_43, %dma_start3A_44] : memref<3x8x128xf32, #tpu.memory_space<vmem>> -> memref<3x4x128xf32, #tpu.memory_space<vmem>>
    %dma_start3A_46 = arith.constant 0 : i32
    %dma_start3A_47 = arith.constant 0 : i32
    %dma_start3A_48 = tpu.memref_slice %arg2[%select_n3A, %dma_start3A_46, %add3A_34, %dma_start3A_47] : memref<2x3x128x128xf32, #tpu.memory_space<hbm>> -> memref<1x3x4x128xf32, #tpu.memory_space<hbm>>
    %dma_start3A_49 = tpu.memref_squeeze %dma_start3A_48 : memref<1x3x4x128xf32, #tpu.memory_space<hbm>> -> memref<3x4x128xf32, #tpu.memory_space<hbm>>
    tpu.enqueue_dma source(%dma_start3A_49 : memref<3x4x128xf32, #tpu.memory_space<hbm>>) target(%dma_start3A_45 : memref<3x4x128xf32, #tpu.memory_space<vmem>>) target_semaphore(%arg12 : memref<!tpu.dma_semaphore, #tpu.memory_space<semaphore_mem>>)
    %add3A_50 = arith.constant 0 : i32
    %add3A_51 = arith.addi %mul3A_32, %add3A_50 : i32
    %dma_start3A_52 = arith.constant 0 : i32
    %dma_start3A_53 = arith.constant 0 : i32
    %dma_start3A_54 = arith.constant 0 : i32
    %dma_start3A_55 = tpu.memref_slice %arg8[%dma_start3A_52, %dma_start3A_53, %dma_start3A_54] : memref<12x8x128xf32, #tpu.memory_space<vmem>> -> memref<12x4x128xf32, #tpu.memory_space<vmem>>
    %dma_start3A_56 = arith.constant 0 : i32
    %dma_start3A_57 = arith.constant 0 : i32
    %dma_start3A_58 = tpu.memref_slice %arg3[%select_n3A, %dma_start3A_56, %add3A_51, %dma_start3A_57] : memref<2x12x128x128xf32, #tpu.memory_space<hbm>> -> memref<1x12x4x128xf32, #tpu.memory_space<hbm>>
    %dma_start3A_59 = tpu.memref_squeeze %dma_start3A_58 : memref<1x12x4x128xf32, #tpu.memory_space<hbm>> -> memref<12x4x128xf32, #tpu.memory_space<hbm>>
    %dma_start3A_60 = arith.constant 0 : i32
    %dma_start3A_61 = arith.constant 0 : i32
    %dma_start3A_62 = arith.constant 0 : i32
    %dma_start3A_63 = tpu.memref_slice %arg8[%dma_start3A_60, %dma_start3A_61, %dma_start3A_62] : memref<12x8x128xf32, #tpu.memory_space<vmem>> -> memref<12x4x128xf32, #tpu.memory_space<vmem>>
    %dma_start3A_64 = arith.constant 0 : i32
    %dma_start3A_65 = arith.constant 0 : i32
    %dma_start3A_66 = tpu.memref_slice %arg3[%select_n3A, %dma_start3A_64, %add3A_51, %dma_start3A_65] : memref<2x12x128x128xf32, #tpu.memory_space<hbm>> -> memref<1x12x4x128xf32, #tpu.memory_space<hbm>>
    %dma_start3A_67 = tpu.memref_squeeze %dma_start3A_66 : memref<1x12x4x128xf32, #tpu.memory_space<hbm>> -> memref<12x4x128xf32, #tpu.memory_space<hbm>>
    tpu.enqueue_dma source(%dma_start3A_67 : memref<12x4x128xf32, #tpu.memory_space<hbm>>) target(%dma_start3A_63 : memref<12x4x128xf32, #tpu.memory_space<vmem>>) target_semaphore(%arg12 : memref<!tpu.dma_semaphore, #tpu.memory_space<semaphore_mem>>)
    %mul3A_68 = arith.constant 2 : i32
    %mul3A_69 = arith.muli %mul3A_68, %add3A : i32
    %add3A_70 = arith.constant 0 : i32
    %add3A_71 = arith.addi %mul3A_69, %add3A_70 : i32
    %mul3A_72 = arith.constant 6144 : i32
    %mul3A_73 = arith.muli %add3A_71, %mul3A_72 : i32
    %dma_start3A_74 = arith.constant 0 : i32
    %dma_start3A_75 = tpu.memref_slice %arg9[%dma_start3A_74] : memref<12288xf32, #tpu.memory_space<vmem>> -> memref<6144xf32, #tpu.memory_space<vmem>>
    %dma_start3A_76 = tpu.memref_slice %arg4[%mul3A_73] : memref<393216xf32, #tpu.memory_space<hbm>> -> memref<6144xf32, #tpu.memory_space<hbm>>
    %dma_start3A_77 = arith.constant 0 : i32
    %dma_start3A_78 = tpu.memref_slice %arg9[%dma_start3A_77] : memref<12288xf32, #tpu.memory_space<vmem>> -> memref<6144xf32, #tpu.memory_space<vmem>>
    %dma_start3A_79 = tpu.memref_slice %arg4[%mul3A_73] : memref<393216xf32, #tpu.memory_space<hbm>> -> memref<6144xf32, #tpu.memory_space<hbm>>
    tpu.enqueue_dma source(%dma_start3A_79 : memref<6144xf32, #tpu.memory_space<hbm>>) target(%dma_start3A_78 : memref<6144xf32, #tpu.memory_space<vmem>>) target_semaphore(%arg12 : memref<!tpu.dma_semaphore, #tpu.memory_space<semaphore_mem>>)
    %add3A_80 = arith.constant 4 : i32
    %add3A_81 = arith.addi %mul3A_32, %add3A_80 : i32
    %dma_start3A_82 = arith.constant 0 : i32
    %dma_start3A_83 = arith.constant 4 : i32
    %dma_start3A_84 = arith.constant 0 : i32
    %dma_start3A_85 = tpu.memref_slice %arg7[%dma_start3A_82, %dma_start3A_83, %dma_start3A_84] : memref<3x8x128xf32, #tpu.memory_space<vmem>> -> memref<3x4x128xf32, #tpu.memory_space<vmem>>
    %dma_start3A_86 = arith.constant 0 : i32
    %dma_start3A_87 = arith.constant 0 : i32
    %dma_start3A_88 = tpu.memref_slice %arg2[%select_n3A, %dma_start3A_86, %add3A_81, %dma_start3A_87] : memref<2x3x128x128xf32, #tpu.memory_space<hbm>> -> memref<1x3x4x128xf32, #tpu.memory_space<hbm>>
    %dma_start3A_89 = tpu.memref_squeeze %dma_start3A_88 : memref<1x3x4x128xf32, #tpu.memory_space<hbm>> -> memref<3x4x128xf32, #tpu.memory_space<hbm>>
    %dma_start3A_90 = arith.constant 0 : i32
    %dma_start3A_91 = arith.constant 4 : i32
    %dma_start3A_92 = arith.constant 0 : i32
    %dma_start3A_93 = tpu.memref_slice %arg7[%dma_start3A_90, %dma_start3A_91, %dma_start3A_92] : memref<3x8x128xf32, #tpu.memory_space<vmem>> -> memref<3x4x128xf32, #tpu.memory_space<vmem>>
    %dma_start3A_94 = arith.constant 0 : i32
    %dma_start3A_95 = arith.constant 0 : i32
    %dma_start3A_96 = tpu.memref_slice %arg2[%select_n3A, %dma_start3A_94, %add3A_81, %dma_start3A_95] : memref<2x3x128x128xf32, #tpu.memory_space<hbm>> -> memref<1x3x4x128xf32, #tpu.memory_space<hbm>>
    %dma_start3A_97 = tpu.memref_squeeze %dma_start3A_96 : memref<1x3x4x128xf32, #tpu.memory_space<hbm>> -> memref<3x4x128xf32, #tpu.memory_space<hbm>>
    tpu.enqueue_dma source(%dma_start3A_97 : memref<3x4x128xf32, #tpu.memory_space<hbm>>) target(%dma_start3A_93 : memref<3x4x128xf32, #tpu.memory_space<vmem>>) target_semaphore(%arg12 : memref<!tpu.dma_semaphore, #tpu.memory_space<semaphore_mem>>)
    %add3A_98 = arith.constant 4 : i32
    %add3A_99 = arith.addi %mul3A_32, %add3A_98 : i32
    %dma_start3A_100 = arith.constant 0 : i32
    %dma_start3A_101 = arith.constant 4 : i32
    %dma_start3A_102 = arith.constant 0 : i32
    %dma_start3A_103 = tpu.memref_slice %arg8[%dma_start3A_100, %dma_start3A_101, %dma_start3A_102] : memref<12x8x128xf32, #tpu.memory_space<vmem>> -> memref<12x4x128xf32, #tpu.memory_space<vmem>>
    %dma_start3A_104 = arith.constant 0 : i32
    %dma_start3A_105 = arith.constant 0 : i32
    %dma_start3A_106 = tpu.memref_slice %arg3[%select_n3A, %dma_start3A_104, %add3A_99, %dma_start3A_105] : memref<2x12x128x128xf32, #tpu.memory_space<hbm>> -> memref<1x12x4x128xf32, #tpu.memory_space<hbm>>
    %dma_start3A_107 = tpu.memref_squeeze %dma_start3A_106 : memref<1x12x4x128xf32, #tpu.memory_space<hbm>> -> memref<12x4x128xf32, #tpu.memory_space<hbm>>
    %dma_start3A_108 = arith.constant 0 : i32
    %dma_start3A_109 = arith.constant 4 : i32
    %dma_start3A_110 = arith.constant 0 : i32
    %dma_start3A_111 = tpu.memref_slice %arg8[%dma_start3A_108, %dma_start3A_109, %dma_start3A_110] : memref<12x8x128xf32, #tpu.memory_space<vmem>> -> memref<12x4x128xf32, #tpu.memory_space<vmem>>
    %dma_start3A_112 = arith.constant 0 : i32
    %dma_start3A_113 = arith.constant 0 : i32
    %dma_start3A_114 = tpu.memref_slice %arg3[%select_n3A, %dma_start3A_112, %add3A_99, %dma_start3A_113] : memref<2x12x128x128xf32, #tpu.memory_space<hbm>> -> memref<1x12x4x128xf32, #tpu.memory_space<hbm>>
    %dma_start3A_115 = tpu.memref_squeeze %dma_start3A_114 : memref<1x12x4x128xf32, #tpu.memory_space<hbm>> -> memref<12x4x128xf32, #tpu.memory_space<hbm>>
    tpu.enqueue_dma source(%dma_start3A_115 : memref<12x4x128xf32, #tpu.memory_space<hbm>>) target(%dma_start3A_111 : memref<12x4x128xf32, #tpu.memory_space<vmem>>) target_semaphore(%arg12 : memref<!tpu.dma_semaphore, #tpu.memory_space<semaphore_mem>>)
    %mul3A_116 = arith.constant 2 : i32
    %mul3A_117 = arith.muli %mul3A_116, %add3A : i32
    %add3A_118 = arith.constant 1 : i32
    %add3A_119 = arith.addi %mul3A_117, %add3A_118 : i32
    %mul3A_120 = arith.constant 6144 : i32
    %mul3A_121 = arith.muli %add3A_119, %mul3A_120 : i32
    %dma_start3A_122 = arith.constant 6144 : i32
    %dma_start3A_123 = tpu.memref_slice %arg9[%dma_start3A_122] : memref<12288xf32, #tpu.memory_space<vmem>> -> memref<6144xf32, #tpu.memory_space<vmem>>
    %dma_start3A_124 = tpu.memref_slice %arg4[%mul3A_121] : memref<393216xf32, #tpu.memory_space<hbm>> -> memref<6144xf32, #tpu.memory_space<hbm>>
    %dma_start3A_125 = arith.constant 6144 : i32
    %dma_start3A_126 = tpu.memref_slice %arg9[%dma_start3A_125] : memref<12288xf32, #tpu.memory_space<vmem>> -> memref<6144xf32, #tpu.memory_space<vmem>>
    %dma_start3A_127 = tpu.memref_slice %arg4[%mul3A_121] : memref<393216xf32, #tpu.memory_space<hbm>> -> memref<6144xf32, #tpu.memory_space<hbm>>
    tpu.enqueue_dma source(%dma_start3A_127 : memref<6144xf32, #tpu.memory_space<hbm>>) target(%dma_start3A_126 : memref<6144xf32, #tpu.memory_space<vmem>>) target_semaphore(%arg12 : memref<!tpu.dma_semaphore, #tpu.memory_space<semaphore_mem>>)
    %iota3A = tpu.iota {dimensions = array<i32: 0>} : vector<16xi32>
    %dma_wait3A = arith.constant 0 : i32
    %dma_wait3A_128 = arith.constant 0 : i32
    %dma_wait3A_129 = arith.constant 0 : i32
    %dma_wait3A_130 = tpu.memref_slice %arg7[%dma_wait3A, %dma_wait3A_128, %dma_wait3A_129] : memref<3x8x128xf32, #tpu.memory_space<vmem>> -> memref<3x4x128xf32, #tpu.memory_space<vmem>>
    %dma_wait3A_131 = arith.constant 0 : i32
    %dma_wait3A_132 = arith.constant 0 : i32
    %dma_wait3A_133 = tpu.memref_slice %arg2[%select_n3A, %dma_wait3A_131, %add3A_34, %dma_wait3A_132] : memref<2x3x128x128xf32, #tpu.memory_space<hbm>> -> memref<1x3x4x128xf32, #tpu.memory_space<hbm>>
    %dma_wait3A_134 = tpu.memref_squeeze %dma_wait3A_133 : memref<1x3x4x128xf32, #tpu.memory_space<hbm>> -> memref<3x4x128xf32, #tpu.memory_space<hbm>>
    %dma_wait3A_135 = arith.constant 0 : i32
    %dma_wait3A_136 = arith.constant 0 : i32
    %dma_wait3A_137 = arith.constant 0 : i32
    %dma_wait3A_138 = tpu.memref_slice %arg7[%dma_wait3A_135, %dma_wait3A_136, %dma_wait3A_137] : memref<3x8x128xf32, #tpu.memory_space<vmem>> -> memref<3x4x128xf32, #tpu.memory_space<vmem>>
    %dma_wait3A_139 = arith.constant 0 : i32
    %dma_wait3A_140 = arith.constant 0 : i32
    %dma_wait3A_141 = tpu.memref_slice %arg2[%select_n3A, %dma_wait3A_139, %add3A_34, %dma_wait3A_140] : memref<2x3x128x128xf32, #tpu.memory_space<hbm>> -> memref<1x3x4x128xf32, #tpu.memory_space<hbm>>
    %dma_wait3A_142 = tpu.memref_squeeze %dma_wait3A_141 : memref<1x3x4x128xf32, #tpu.memory_space<hbm>> -> memref<3x4x128xf32, #tpu.memory_space<hbm>>
    tpu.wait_dma2 semaphore(%arg12 : memref<!tpu.dma_semaphore, #tpu.memory_space<semaphore_mem>>) src(%dma_wait3A_142 : memref<3x4x128xf32, #tpu.memory_space<hbm>>) dst(%dma_wait3A_138 : memref<3x4x128xf32, #tpu.memory_space<vmem>>)
    %dma_wait3A_143 = arith.constant 0 : i32
    %dma_wait3A_144 = arith.constant 0 : i32
    %dma_wait3A_145 = arith.constant 0 : i32
    %dma_wait3A_146 = tpu.memref_slice %arg8[%dma_wait3A_143, %dma_wait3A_144, %dma_wait3A_145] : memref<12x8x128xf32, #tpu.memory_space<vmem>> -> memref<12x4x128xf32, #tpu.memory_space<vmem>>
    %dma_wait3A_147 = arith.constant 0 : i32
    %dma_wait3A_148 = arith.constant 0 : i32
    %dma_wait3A_149 = tpu.memref_slice %arg3[%select_n3A, %dma_wait3A_147, %add3A_51, %dma_wait3A_148] : memref<2x12x128x128xf32, #tpu.memory_space<hbm>> -> memref<1x12x4x128xf32, #tpu.memory_space<hbm>>
    %dma_wait3A_150 = tpu.memref_squeeze %dma_wait3A_149 : memref<1x12x4x128xf32, #tpu.memory_space<hbm>> -> memref<12x4x128xf32, #tpu.memory_space<hbm>>
    %dma_wait3A_151 = arith.constant 0 : i32
    %dma_wait3A_152 = arith.constant 0 : i32
    %dma_wait3A_153 = arith.constant 0 : i32
    %dma_wait3A_154 = tpu.memref_slice %arg8[%dma_wait3A_151, %dma_wait3A_152, %dma_wait3A_153] : memref<12x8x128xf32, #tpu.memory_space<vmem>> -> memref<12x4x128xf32, #tpu.memory_space<vmem>>
    %dma_wait3A_155 = arith.constant 0 : i32
    %dma_wait3A_156 = arith.constant 0 : i32
    %dma_wait3A_157 = tpu.memref_slice %arg3[%select_n3A, %dma_wait3A_155, %add3A_51, %dma_wait3A_156] : memref<2x12x128x128xf32, #tpu.memory_space<hbm>> -> memref<1x12x4x128xf32, #tpu.memory_space<hbm>>
    %dma_wait3A_158 = tpu.memref_squeeze %dma_wait3A_157 : memref<1x12x4x128xf32, #tpu.memory_space<hbm>> -> memref<12x4x128xf32, #tpu.memory_space<hbm>>
    tpu.wait_dma2 semaphore(%arg12 : memref<!tpu.dma_semaphore, #tpu.memory_space<semaphore_mem>>) src(%dma_wait3A_158 : memref<12x4x128xf32, #tpu.memory_space<hbm>>) dst(%dma_wait3A_154 : memref<12x4x128xf32, #tpu.memory_space<vmem>>)
    %dma_wait3A_159 = arith.constant 0 : i32
    %dma_wait3A_160 = tpu.memref_slice %arg9[%dma_wait3A_159] : memref<12288xf32, #tpu.memory_space<vmem>> -> memref<6144xf32, #tpu.memory_space<vmem>>
    %dma_wait3A_161 = tpu.memref_slice %arg4[%mul3A_73] : memref<393216xf32, #tpu.memory_space<hbm>> -> memref<6144xf32, #tpu.memory_space<hbm>>
    %dma_wait3A_162 = arith.constant 0 : i32
    %dma_wait3A_163 = tpu.memref_slice %arg9[%dma_wait3A_162] : memref<12288xf32, #tpu.memory_space<vmem>> -> memref<6144xf32, #tpu.memory_space<vmem>>
    %dma_wait3A_164 = tpu.memref_slice %arg4[%mul3A_73] : memref<393216xf32, #tpu.memory_space<hbm>> -> memref<6144xf32, #tpu.memory_space<hbm>>
    tpu.wait_dma2 semaphore(%arg12 : memref<!tpu.dma_semaphore, #tpu.memory_space<semaphore_mem>>) src(%dma_wait3A_164 : memref<6144xf32, #tpu.memory_space<hbm>>) dst(%dma_wait3A_163 : memref<6144xf32, #tpu.memory_space<vmem>>)
    %parallel_loop3A = arith.constant 0 : i32
    %parallel_loop3A_165 = arith.constant 96 : i32
    %parallel_loop3A_166 = arith.constant 1 : i32
    scf.for %parallel_loop3A_276 = %parallel_loop3A to %parallel_loop3A_165 step %parallel_loop3A_166  : i32 {
      %parallel_loop3A_277 = arith.constant 16 : i32
      %parallel_loop3A_278 = arith.muli %parallel_loop3A_276, %parallel_loop3A_277 : i32
      %parallel_loop3A_279 = vector.broadcast %parallel_loop3A_278 : i32 to vector<16xi32>
      %parallel_loop3A_280 = arith.addi %parallel_loop3A_279, %iota3A : vector<16xi32>
      %parallel_loop3A_281 = arith.constant 21846 : i32
      %parallel_loop3A_282 = vector.broadcast %parallel_loop3A_281 : i32 to vector<16xi32>
      %parallel_loop3A_283 = arith.muli %parallel_loop3A_280, %parallel_loop3A_282 : vector<16xi32>
      %parallel_loop3A_284 = arith.constant 16 : i32
      %parallel_loop3A_285 = vector.broadcast %parallel_loop3A_284 : i32 to vector<16xi32>
      %parallel_loop3A_286 = arith.shrui %parallel_loop3A_283, %parallel_loop3A_285 : vector<16xi32>
      %parallel_loop3A_287 = arith.constant 3 : i32
      %parallel_loop3A_288 = vector.broadcast %parallel_loop3A_287 : i32 to vector<16xi32>
      %parallel_loop3A_289 = arith.muli %parallel_loop3A_286, %parallel_loop3A_288 : vector<16xi32>
      %parallel_loop3A_290 = arith.subi %parallel_loop3A_280, %parallel_loop3A_289 : vector<16xi32>
      %parallel_loop3A_291 = arith.constant 7 : i32
      %parallel_loop3A_292 = vector.broadcast %parallel_loop3A_291 : i32 to vector<16xi32>
      %parallel_loop3A_293 = arith.shrui %parallel_loop3A_286, %parallel_loop3A_292 : vector<16xi32>
      %parallel_loop3A_294 = arith.constant 127 : i32
      %parallel_loop3A_295 = vector.broadcast %parallel_loop3A_294 : i32 to vector<16xi32>
      %parallel_loop3A_296 = arith.andi %parallel_loop3A_286, %parallel_loop3A_295 : vector<16xi32>
      %parallel_loop3A_297 = arith.constant 4 : i32
      %parallel_loop3A_298 = vector.broadcast %parallel_loop3A_297 : i32 to vector<16xi32>
      %parallel_loop3A_299 = arith.muli %parallel_loop3A_290, %parallel_loop3A_298 : vector<16xi32>
      %parallel_loop3A_300 = arith.constant 0 : i32
      %parallel_loop3A_301 = vector.broadcast %parallel_loop3A_300 : i32 to vector<16xi32>
      %parallel_loop3A_302 = arith.addi %parallel_loop3A_299, %parallel_loop3A_301 : vector<16xi32>
      %parallel_loop3A_303 = tpu.vector_load_idx %arg8[%parallel_loop3A_302, %parallel_loop3A_293, %parallel_loop3A_296] : memref<12x8x128xf32, #tpu.memory_space<vmem>>[vector<16xi32>, vector<16xi32>, vector<16xi32>], vector<16xf32>,
      %parallel_loop3A_304 = arith.constant 1 : i32
      %parallel_loop3A_305 = vector.broadcast %parallel_loop3A_304 : i32 to vector<16xi32>
      %parallel_loop3A_306 = arith.addi %parallel_loop3A_299, %parallel_loop3A_305 : vector<16xi32>
      %parallel_loop3A_307 = tpu.vector_load_idx %arg8[%parallel_loop3A_306, %parallel_loop3A_293, %parallel_loop3A_296] : memref<12x8x128xf32, #tpu.memory_space<vmem>>[vector<16xi32>, vector<16xi32>, vector<16xi32>], vector<16xf32>,
      %parallel_loop3A_308 = arith.constant 2 : i32
      %parallel_loop3A_309 = vector.broadcast %parallel_loop3A_308 : i32 to vector<16xi32>
      %parallel_loop3A_310 = arith.addi %parallel_loop3A_299, %parallel_loop3A_309 : vector<16xi32>
      %parallel_loop3A_311 = tpu.vector_load_idx %arg8[%parallel_loop3A_310, %parallel_loop3A_293, %parallel_loop3A_296] : memref<12x8x128xf32, #tpu.memory_space<vmem>>[vector<16xi32>, vector<16xi32>, vector<16xi32>], vector<16xf32>,
      %parallel_loop3A_312 = arith.constant 3 : i32
      %parallel_loop3A_313 = vector.broadcast %parallel_loop3A_312 : i32 to vector<16xi32>
      %parallel_loop3A_314 = arith.addi %parallel_loop3A_299, %parallel_loop3A_313 : vector<16xi32>
      %parallel_loop3A_315 = tpu.vector_load_idx %arg8[%parallel_loop3A_314, %parallel_loop3A_293, %parallel_loop3A_296] : memref<12x8x128xf32, #tpu.memory_space<vmem>>[vector<16xi32>, vector<16xi32>, vector<16xi32>], vector<16xf32>,
      %parallel_loop3A_316 = tpu.vector_load_idx %arg7[%parallel_loop3A_290, %parallel_loop3A_293, %parallel_loop3A_296] : memref<3x8x128xf32, #tpu.memory_space<vmem>>[vector<16xi32>, vector<16xi32>, vector<16xi32>], vector<16xf32>,
      %parallel_loop3A_317 = arith.constant 3 : i32
      %parallel_loop3A_318 = arith.shrui %parallel_loop3A_276, %parallel_loop3A_317 : i32
      %parallel_loop3A_319 = arith.constant 512 : i32
      %parallel_loop3A_320 = arith.muli %parallel_loop3A_318, %parallel_loop3A_319 : i32
      %parallel_loop3A_321 = arith.constant 7 : i32
      %parallel_loop3A_322 = arith.andi %parallel_loop3A_276, %parallel_loop3A_321 : i32
      %parallel_loop3A_323 = arith.constant 16 : i32
      %parallel_loop3A_324 = arith.muli %parallel_loop3A_322, %parallel_loop3A_323 : i32
      %parallel_loop3A_325 = arith.addi %parallel_loop3A_320, %parallel_loop3A_324 : i32
      %parallel_loop3A_326 = arith.index_cast %parallel_loop3A_325 : i32 to index
      %parallel_loop3A_327 = tpu.vector_load %arg9[%parallel_loop3A_326] {strides = array<i32>} : memref<12288xf32, #tpu.memory_space<vmem>>, vector<16xf32>,
      %parallel_loop3A_328 = arith.constant 128 : i32
      %parallel_loop3A_329 = arith.addi %parallel_loop3A_325, %parallel_loop3A_328 : i32
      %parallel_loop3A_330 = arith.index_cast %parallel_loop3A_329 : i32 to index
      %parallel_loop3A_331 = tpu.vector_load %arg9[%parallel_loop3A_330] {strides = array<i32>} : memref<12288xf32, #tpu.memory_space<vmem>>, vector<16xf32>,
      %parallel_loop3A_332 = arith.constant 256 : i32
      %parallel_loop3A_333 = arith.addi %parallel_loop3A_325, %parallel_loop3A_332 : i32
      %parallel_loop3A_334 = arith.index_cast %parallel_loop3A_333 : i32 to index
      %parallel_loop3A_335 = tpu.vector_load %arg9[%parallel_loop3A_334] {strides = array<i32>} : memref<12288xf32, #tpu.memory_space<vmem>>, vector<16xf32>,
      %parallel_loop3A_336 = arith.constant 384 : i32
      %parallel_loop3A_337 = arith.addi %parallel_loop3A_325, %parallel_loop3A_336 : i32
      %parallel_loop3A_338 = arith.index_cast %parallel_loop3A_337 : i32 to index
      %parallel_loop3A_339 = tpu.vector_load %arg9[%parallel_loop3A_338] {strides = array<i32>} : memref<12288xf32, #tpu.memory_space<vmem>>, vector<16xf32>,
      %parallel_loop3A_340 = arith.subf %parallel_loop3A_335, %parallel_loop3A_327 : vector<16xf32>
      %parallel_loop3A_341 = arith.subf %parallel_loop3A_339, %parallel_loop3A_331 : vector<16xf32>
      %parallel_loop3A_342 = arith.constant 5.000000e-01 : f32
      %parallel_loop3A_343 = vector.broadcast %parallel_loop3A_342 : f32 to vector<16xf32>
      %parallel_loop3A_344 = arith.mulf %parallel_loop3A_343, %parallel_loop3A_340 : vector<16xf32>
      %parallel_loop3A_345 = arith.addf %parallel_loop3A_327, %parallel_loop3A_344 : vector<16xf32>
      %parallel_loop3A_346 = arith.constant 5.000000e-01 : f32
      %parallel_loop3A_347 = vector.broadcast %parallel_loop3A_346 : f32 to vector<16xf32>
      %parallel_loop3A_348 = arith.mulf %parallel_loop3A_347, %parallel_loop3A_341 : vector<16xf32>
      %parallel_loop3A_349 = arith.addf %parallel_loop3A_331, %parallel_loop3A_348 : vector<16xf32>
      %parallel_loop3A_350 = arith.constant 4.13516665 : f32
      %parallel_loop3A_351 = vector.broadcast %parallel_loop3A_350 : f32 to vector<16xf32>
      %parallel_loop3A_352 = arith.minimumf %parallel_loop3A_311, %parallel_loop3A_351 : vector<16xf32>
      %parallel_loop3A_353 = arith.constant 4.13516665 : f32
      %parallel_loop3A_354 = vector.broadcast %parallel_loop3A_353 : f32 to vector<16xf32>
      %parallel_loop3A_355 = arith.minimumf %parallel_loop3A_315, %parallel_loop3A_354 : vector<16xf32>
      %parallel_loop3A_356 = arith.mulf %parallel_loop3A_303, %parallel_loop3A_340 : vector<16xf32>
      %parallel_loop3A_357 = arith.addf %parallel_loop3A_356, %parallel_loop3A_345 : vector<16xf32>
      %parallel_loop3A_358 = arith.mulf %parallel_loop3A_307, %parallel_loop3A_341 : vector<16xf32>
      %parallel_loop3A_359 = arith.addf %parallel_loop3A_358, %parallel_loop3A_349 : vector<16xf32>
      %parallel_loop3A_360 = math.exp %parallel_loop3A_352 : vector<16xf32>
      %parallel_loop3A_361 = arith.mulf %parallel_loop3A_360, %parallel_loop3A_340 : vector<16xf32>
      %parallel_loop3A_362 = arith.constant 5.000000e-01 : f32
      %parallel_loop3A_363 = vector.broadcast %parallel_loop3A_362 : f32 to vector<16xf32>
      %parallel_loop3A_364 = arith.mulf %parallel_loop3A_363, %parallel_loop3A_361 : vector<16xf32>
      %parallel_loop3A_365 = math.exp %parallel_loop3A_355 : vector<16xf32>
      %parallel_loop3A_366 = arith.mulf %parallel_loop3A_365, %parallel_loop3A_341 : vector<16xf32>
      %parallel_loop3A_367 = arith.constant 5.000000e-01 : f32
      %parallel_loop3A_368 = vector.broadcast %parallel_loop3A_367 : f32 to vector<16xf32>
      %parallel_loop3A_369 = arith.mulf %parallel_loop3A_368, %parallel_loop3A_366 : vector<16xf32>
      %parallel_loop3A_370 = arith.subf %parallel_loop3A_357, %parallel_loop3A_364 : vector<16xf32>
      %parallel_loop3A_371 = arith.index_cast %parallel_loop3A_325 : i32 to index
      %parallel_loop3A_372 = tpu.vector_load %arg10[%parallel_loop3A_371] {strides = array<i32>} : memref<12288xf32, #tpu.memory_space<vmem>>, vector<16xf32>,
      tpu.vector_store %arg10[%parallel_loop3A_371], %parallel_loop3A_370 {strides = array<i32>} : memref<12288xf32, #tpu.memory_space<vmem>>, vector<16xf32>,
      %parallel_loop3A_373 = arith.subf %parallel_loop3A_359, %parallel_loop3A_369 : vector<16xf32>
      %parallel_loop3A_374 = arith.constant 128 : i32
      %parallel_loop3A_375 = arith.addi %parallel_loop3A_325, %parallel_loop3A_374 : i32
      %parallel_loop3A_376 = arith.index_cast %parallel_loop3A_375 : i32 to index
      %parallel_loop3A_377 = tpu.vector_load %arg10[%parallel_loop3A_376] {strides = array<i32>} : memref<12288xf32, #tpu.memory_space<vmem>>, vector<16xf32>,
      tpu.vector_store %arg10[%parallel_loop3A_376], %parallel_loop3A_373 {strides = array<i32>} : memref<12288xf32, #tpu.memory_space<vmem>>, vector<16xf32>,
      %parallel_loop3A_378 = arith.addf %parallel_loop3A_357, %parallel_loop3A_364 : vector<16xf32>
      %parallel_loop3A_379 = arith.constant 256 : i32
      %parallel_loop3A_380 = arith.addi %parallel_loop3A_325, %parallel_loop3A_379 : i32
      %parallel_loop3A_381 = arith.index_cast %parallel_loop3A_380 : i32 to index
      %parallel_loop3A_382 = tpu.vector_load %arg10[%parallel_loop3A_381] {strides = array<i32>} : memref<12288xf32, #tpu.memory_space<vmem>>, vector<16xf32>,
      tpu.vector_store %arg10[%parallel_loop3A_381], %parallel_loop3A_378 {strides = array<i32>} : memref<12288xf32, #tpu.memory_space<vmem>>, vector<16xf32>,
      %parallel_loop3A_383 = arith.addf %parallel_loop3A_359, %parallel_loop3A_369 : vector<16xf32>
      %parallel_loop3A_384 = arith.constant 384 : i32
      %parallel_loop3A_385 = arith.addi %parallel_loop3A_325, %parallel_loop3A_384 : i32
      %parallel_loop3A_386 = arith.index_cast %parallel_loop3A_385 : i32 to index
      %parallel_loop3A_387 = tpu.vector_load %arg10[%parallel_loop3A_386] {strides = array<i32>} : memref<12288xf32, #tpu.memory_space<vmem>>, vector<16xf32>,
      tpu.vector_store %arg10[%parallel_loop3A_386], %parallel_loop3A_383 {strides = array<i32>} : memref<12288xf32, #tpu.memory_space<vmem>>, vector<16xf32>,
      %parallel_loop3A_388 = arith.constant 16 : i32
      %parallel_loop3A_389 = arith.muli %parallel_loop3A_276, %parallel_loop3A_388 : i32
      %parallel_loop3A_390 = arith.index_cast %parallel_loop3A_389 : i32 to index
      %parallel_loop3A_391 = tpu.vector_load %arg11[%parallel_loop3A_390] {strides = array<i32>} : memref<3072xf32, #tpu.memory_space<vmem>>, vector<16xf32>,
      tpu.vector_store %arg11[%parallel_loop3A_390], %parallel_loop3A_316 {strides = array<i32>} : memref<3072xf32, #tpu.memory_space<vmem>>, vector<16xf32>,
    } {sc.loop_unroll_factor = 4 : i64, sc.parallel_access}
    %mul3A_167 = arith.constant 2 : i32
    %mul3A_168 = arith.muli %mul3A_167, %add3A : i32
    %add3A_169 = arith.constant 0 : i32
    %add3A_170 = arith.addi %mul3A_168, %add3A_169 : i32
    %mul3A_171 = arith.constant 6144 : i32
    %mul3A_172 = arith.muli %add3A_170, %mul3A_171 : i32
    %dma_start3A_173 = arith.constant 0 : i32
    %dma_start3A_174 = tpu.memref_slice %arg10[%dma_start3A_173] : memref<12288xf32, #tpu.memory_space<vmem>> -> memref<6144xf32, #tpu.memory_space<vmem>>
    %dma_start3A_175 = tpu.memref_slice %arg5[%mul3A_172] : memref<393216xf32, #tpu.memory_space<hbm>> -> memref<6144xf32, #tpu.memory_space<hbm>>
    %dma_start3A_176 = tpu.memref_slice %arg5[%mul3A_172] : memref<393216xf32, #tpu.memory_space<hbm>> -> memref<6144xf32, #tpu.memory_space<hbm>>
    %dma_start3A_177 = arith.constant 0 : i32
    %dma_start3A_178 = tpu.memref_slice %arg10[%dma_start3A_177] : memref<12288xf32, #tpu.memory_space<vmem>> -> memref<6144xf32, #tpu.memory_space<vmem>>
    tpu.enqueue_dma source(%dma_start3A_178 : memref<6144xf32, #tpu.memory_space<vmem>>) target(%dma_start3A_176 : memref<6144xf32, #tpu.memory_space<hbm>>) target_semaphore(%arg12 : memref<!tpu.dma_semaphore, #tpu.memory_space<semaphore_mem>>)
    %mul3A_179 = arith.constant 3072 : i32
    %mul3A_180 = arith.muli %add3A, %mul3A_179 : i32
    %add3A_181 = arith.constant 0 : i32
    %add3A_182 = arith.addi %mul3A_180, %add3A_181 : i32
    %dma_start3A_183 = arith.constant 0 : i32
    %dma_start3A_184 = tpu.memref_slice %arg11[%dma_start3A_183] : memref<3072xf32, #tpu.memory_space<vmem>> -> memref<1536xf32, #tpu.memory_space<vmem>>
    %dma_start3A_185 = tpu.memref_slice %arg6[%add3A_182] : memref<98304xf32, #tpu.memory_space<hbm>> -> memref<1536xf32, #tpu.memory_space<hbm>>
    %dma_start3A_186 = tpu.memref_slice %arg6[%add3A_182] : memref<98304xf32, #tpu.memory_space<hbm>> -> memref<1536xf32, #tpu.memory_space<hbm>>
    %dma_start3A_187 = arith.constant 0 : i32
    %dma_start3A_188 = tpu.memref_slice %arg11[%dma_start3A_187] : memref<3072xf32, #tpu.memory_space<vmem>> -> memref<1536xf32, #tpu.memory_space<vmem>>
    tpu.enqueue_dma source(%dma_start3A_188 : memref<1536xf32, #tpu.memory_space<vmem>>) target(%dma_start3A_186 : memref<1536xf32, #tpu.memory_space<hbm>>) target_semaphore(%arg12 : memref<!tpu.dma_semaphore, #tpu.memory_space<semaphore_mem>>)
    %dma_wait3A_189 = arith.constant 0 : i32
    %dma_wait3A_190 = arith.constant 4 : i32
    %dma_wait3A_191 = arith.constant 0 : i32
    %dma_wait3A_192 = tpu.memref_slice %arg7[%dma_wait3A_189, %dma_wait3A_190, %dma_wait3A_191] : memref<3x8x128xf32, #tpu.memory_space<vmem>> -> memref<3x4x128xf32, #tpu.memory_space<vmem>>
    %dma_wait3A_193 = arith.constant 0 : i32
    %dma_wait3A_194 = arith.constant 0 : i32
    %dma_wait3A_195 = tpu.memref_slice %arg2[%select_n3A, %dma_wait3A_193, %add3A_81, %dma_wait3A_194] : memref<2x3x128x128xf32, #tpu.memory_space<hbm>> -> memref<1x3x4x128xf32, #tpu.memory_space<hbm>>
    %dma_wait3A_196 = tpu.memref_squeeze %dma_wait3A_195 : memref<1x3x4x128xf32, #tpu.memory_space<hbm>> -> memref<3x4x128xf32, #tpu.memory_space<hbm>>
    %dma_wait3A_197 = arith.constant 0 : i32
    %dma_wait3A_198 = arith.constant 4 : i32
    %dma_wait3A_199 = arith.constant 0 : i32
    %dma_wait3A_200 = tpu.memref_slice %arg7[%dma_wait3A_197, %dma_wait3A_198, %dma_wait3A_199] : memref<3x8x128xf32, #tpu.memory_space<vmem>> -> memref<3x4x128xf32, #tpu.memory_space<vmem>>
    %dma_wait3A_201 = arith.constant 0 : i32
    %dma_wait3A_202 = arith.constant 0 : i32
    %dma_wait3A_203 = tpu.memref_slice %arg2[%select_n3A, %dma_wait3A_201, %add3A_81, %dma_wait3A_202] : memref<2x3x128x128xf32, #tpu.memory_space<hbm>> -> memref<1x3x4x128xf32, #tpu.memory_space<hbm>>
    %dma_wait3A_204 = tpu.memref_squeeze %dma_wait3A_203 : memref<1x3x4x128xf32, #tpu.memory_space<hbm>> -> memref<3x4x128xf32, #tpu.memory_space<hbm>>
    tpu.wait_dma2 semaphore(%arg12 : memref<!tpu.dma_semaphore, #tpu.memory_space<semaphore_mem>>) src(%dma_wait3A_204 : memref<3x4x128xf32, #tpu.memory_space<hbm>>) dst(%dma_wait3A_200 : memref<3x4x128xf32, #tpu.memory_space<vmem>>)
    %dma_wait3A_205 = arith.constant 0 : i32
    %dma_wait3A_206 = arith.constant 4 : i32
    %dma_wait3A_207 = arith.constant 0 : i32
    %dma_wait3A_208 = tpu.memref_slice %arg8[%dma_wait3A_205, %dma_wait3A_206, %dma_wait3A_207] : memref<12x8x128xf32, #tpu.memory_space<vmem>> -> memref<12x4x128xf32, #tpu.memory_space<vmem>>
    %dma_wait3A_209 = arith.constant 0 : i32
    %dma_wait3A_210 = arith.constant 0 : i32
    %dma_wait3A_211 = tpu.memref_slice %arg3[%select_n3A, %dma_wait3A_209, %add3A_99, %dma_wait3A_210] : memref<2x12x128x128xf32, #tpu.memory_space<hbm>> -> memref<1x12x4x128xf32, #tpu.memory_space<hbm>>
    %dma_wait3A_212 = tpu.memref_squeeze %dma_wait3A_211 : memref<1x12x4x128xf32, #tpu.memory_space<hbm>> -> memref<12x4x128xf32, #tpu.memory_space<hbm>>
    %dma_wait3A_213 = arith.constant 0 : i32
    %dma_wait3A_214 = arith.constant 4 : i32
    %dma_wait3A_215 = arith.constant 0 : i32
    %dma_wait3A_216 = tpu.memref_slice %arg8[%dma_wait3A_213, %dma_wait3A_214, %dma_wait3A_215] : memref<12x8x128xf32, #tpu.memory_space<vmem>> -> memref<12x4x128xf32, #tpu.memory_space<vmem>>
    %dma_wait3A_217 = arith.constant 0 : i32
    %dma_wait3A_218 = arith.constant 0 : i32
    %dma_wait3A_219 = tpu.memref_slice %arg3[%select_n3A, %dma_wait3A_217, %add3A_99, %dma_wait3A_218] : memref<2x12x128x128xf32, #tpu.memory_space<hbm>> -> memref<1x12x4x128xf32, #tpu.memory_space<hbm>>
    %dma_wait3A_220 = tpu.memref_squeeze %dma_wait3A_219 : memref<1x12x4x128xf32, #tpu.memory_space<hbm>> -> memref<12x4x128xf32, #tpu.memory_space<hbm>>
    tpu.wait_dma2 semaphore(%arg12 : memref<!tpu.dma_semaphore, #tpu.memory_space<semaphore_mem>>) src(%dma_wait3A_220 : memref<12x4x128xf32, #tpu.memory_space<hbm>>) dst(%dma_wait3A_216 : memref<12x4x128xf32, #tpu.memory_space<vmem>>)
    %dma_wait3A_221 = arith.constant 6144 : i32
    %dma_wait3A_222 = tpu.memref_slice %arg9[%dma_wait3A_221] : memref<12288xf32, #tpu.memory_space<vmem>> -> memref<6144xf32, #tpu.memory_space<vmem>>
    %dma_wait3A_223 = tpu.memref_slice %arg4[%mul3A_121] : memref<393216xf32, #tpu.memory_space<hbm>> -> memref<6144xf32, #tpu.memory_space<hbm>>
    %dma_wait3A_224 = arith.constant 6144 : i32
    %dma_wait3A_225 = tpu.memref_slice %arg9[%dma_wait3A_224] : memref<12288xf32, #tpu.memory_space<vmem>> -> memref<6144xf32, #tpu.memory_space<vmem>>
    %dma_wait3A_226 = tpu.memref_slice %arg4[%mul3A_121] : memref<393216xf32, #tpu.memory_space<hbm>> -> memref<6144xf32, #tpu.memory_space<hbm>>
    tpu.wait_dma2 semaphore(%arg12 : memref<!tpu.dma_semaphore, #tpu.memory_space<semaphore_mem>>) src(%dma_wait3A_226 : memref<6144xf32, #tpu.memory_space<hbm>>) dst(%dma_wait3A_225 : memref<6144xf32, #tpu.memory_space<vmem>>)
    %parallel_loop3A_227 = arith.constant 96 : i32
    %parallel_loop3A_228 = arith.constant 192 : i32
    %parallel_loop3A_229 = arith.constant 1 : i32
    scf.for %parallel_loop3A_276 = %parallel_loop3A_227 to %parallel_loop3A_228 step %parallel_loop3A_229  : i32 {
      %parallel_loop3A_277 = arith.constant 16 : i32
      %parallel_loop3A_278 = arith.muli %parallel_loop3A_276, %parallel_loop3A_277 : i32
      %parallel_loop3A_279 = vector.broadcast %parallel_loop3A_278 : i32 to vector<16xi32>
      %parallel_loop3A_280 = arith.addi %parallel_loop3A_279, %iota3A : vector<16xi32>
      %parallel_loop3A_281 = arith.constant 21846 : i32
      %parallel_loop3A_282 = vector.broadcast %parallel_loop3A_281 : i32 to vector<16xi32>
      %parallel_loop3A_283 = arith.muli %parallel_loop3A_280, %parallel_loop3A_282 : vector<16xi32>
      %parallel_loop3A_284 = arith.constant 16 : i32
      %parallel_loop3A_285 = vector.broadcast %parallel_loop3A_284 : i32 to vector<16xi32>
      %parallel_loop3A_286 = arith.shrui %parallel_loop3A_283, %parallel_loop3A_285 : vector<16xi32>
      %parallel_loop3A_287 = arith.constant 3 : i32
      %parallel_loop3A_288 = vector.broadcast %parallel_loop3A_287 : i32 to vector<16xi32>
      %parallel_loop3A_289 = arith.muli %parallel_loop3A_286, %parallel_loop3A_288 : vector<16xi32>
      %parallel_loop3A_290 = arith.subi %parallel_loop3A_280, %parallel_loop3A_289 : vector<16xi32>
      %parallel_loop3A_291 = arith.constant 7 : i32
      %parallel_loop3A_292 = vector.broadcast %parallel_loop3A_291 : i32 to vector<16xi32>
      %parallel_loop3A_293 = arith.shrui %parallel_loop3A_286, %parallel_loop3A_292 : vector<16xi32>
      %parallel_loop3A_294 = arith.constant 127 : i32
      %parallel_loop3A_295 = vector.broadcast %parallel_loop3A_294 : i32 to vector<16xi32>
      %parallel_loop3A_296 = arith.andi %parallel_loop3A_286, %parallel_loop3A_295 : vector<16xi32>
      %parallel_loop3A_297 = arith.constant 4 : i32
      %parallel_loop3A_298 = vector.broadcast %parallel_loop3A_297 : i32 to vector<16xi32>
      %parallel_loop3A_299 = arith.muli %parallel_loop3A_290, %parallel_loop3A_298 : vector<16xi32>
      %parallel_loop3A_300 = arith.constant 0 : i32
      %parallel_loop3A_301 = vector.broadcast %parallel_loop3A_300 : i32 to vector<16xi32>
      %parallel_loop3A_302 = arith.addi %parallel_loop3A_299, %parallel_loop3A_301 : vector<16xi32>
      %parallel_loop3A_303 = tpu.vector_load_idx %arg8[%parallel_loop3A_302, %parallel_loop3A_293, %parallel_loop3A_296] : memref<12x8x128xf32, #tpu.memory_space<vmem>>[vector<16xi32>, vector<16xi32>, vector<16xi32>], vector<16xf32>,
      %parallel_loop3A_304 = arith.constant 1 : i32
      %parallel_loop3A_305 = vector.broadcast %parallel_loop3A_304 : i32 to vector<16xi32>
      %parallel_loop3A_306 = arith.addi %parallel_loop3A_299, %parallel_loop3A_305 : vector<16xi32>
      %parallel_loop3A_307 = tpu.vector_load_idx %arg8[%parallel_loop3A_306, %parallel_loop3A_293, %parallel_loop3A_296] : memref<12x8x128xf32, #tpu.memory_space<vmem>>[vector<16xi32>, vector<16xi32>, vector<16xi32>], vector<16xf32>,
      %parallel_loop3A_308 = arith.constant 2 : i32
      %parallel_loop3A_309 = vector.broadcast %parallel_loop3A_308 : i32 to vector<16xi32>
      %parallel_loop3A_310 = arith.addi %parallel_loop3A_299, %parallel_loop3A_309 : vector<16xi32>
      %parallel_loop3A_311 = tpu.vector_load_idx %arg8[%parallel_loop3A_310, %parallel_loop3A_293, %parallel_loop3A_296] : memref<12x8x128xf32, #tpu.memory_space<vmem>>[vector<16xi32>, vector<16xi32>, vector<16xi32>], vector<16xf32>,
      %parallel_loop3A_312 = arith.constant 3 : i32
      %parallel_loop3A_313 = vector.broadcast %parallel_loop3A_312 : i32 to vector<16xi32>
      %parallel_loop3A_314 = arith.addi %parallel_loop3A_299, %parallel_loop3A_313 : vector<16xi32>
      %parallel_loop3A_315 = tpu.vector_load_idx %arg8[%parallel_loop3A_314, %parallel_loop3A_293, %parallel_loop3A_296] : memref<12x8x128xf32, #tpu.memory_space<vmem>>[vector<16xi32>, vector<16xi32>, vector<16xi32>], vector<16xf32>,
      %parallel_loop3A_316 = tpu.vector_load_idx %arg7[%parallel_loop3A_290, %parallel_loop3A_293, %parallel_loop3A_296] : memref<3x8x128xf32, #tpu.memory_space<vmem>>[vector<16xi32>, vector<16xi32>, vector<16xi32>], vector<16xf32>,
      %parallel_loop3A_317 = arith.constant 3 : i32
      %parallel_loop3A_318 = arith.shrui %parallel_loop3A_276, %parallel_loop3A_317 : i32
      %parallel_loop3A_319 = arith.constant 512 : i32
      %parallel_loop3A_320 = arith.muli %parallel_loop3A_318, %parallel_loop3A_319 : i32
      %parallel_loop3A_321 = arith.constant 7 : i32
      %parallel_loop3A_322 = arith.andi %parallel_loop3A_276, %parallel_loop3A_321 : i32
      %parallel_loop3A_323 = arith.constant 16 : i32
      %parallel_loop3A_324 = arith.muli %parallel_loop3A_322, %parallel_loop3A_323 : i32
      %parallel_loop3A_325 = arith.addi %parallel_loop3A_320, %parallel_loop3A_324 : i32
      %parallel_loop3A_326 = arith.index_cast %parallel_loop3A_325 : i32 to index
      %parallel_loop3A_327 = tpu.vector_load %arg9[%parallel_loop3A_326] {strides = array<i32>} : memref<12288xf32, #tpu.memory_space<vmem>>, vector<16xf32>,
      %parallel_loop3A_328 = arith.constant 128 : i32
      %parallel_loop3A_329 = arith.addi %parallel_loop3A_325, %parallel_loop3A_328 : i32
      %parallel_loop3A_330 = arith.index_cast %parallel_loop3A_329 : i32 to index
      %parallel_loop3A_331 = tpu.vector_load %arg9[%parallel_loop3A_330] {strides = array<i32>} : memref<12288xf32, #tpu.memory_space<vmem>>, vector<16xf32>,
      %parallel_loop3A_332 = arith.constant 256 : i32
      %parallel_loop3A_333 = arith.addi %parallel_loop3A_325, %parallel_loop3A_332 : i32
      %parallel_loop3A_334 = arith.index_cast %parallel_loop3A_333 : i32 to index
      %parallel_loop3A_335 = tpu.vector_load %arg9[%parallel_loop3A_334] {strides = array<i32>} : memref<12288xf32, #tpu.memory_space<vmem>>, vector<16xf32>,
      %parallel_loop3A_336 = arith.constant 384 : i32
      %parallel_loop3A_337 = arith.addi %parallel_loop3A_325, %parallel_loop3A_336 : i32
      %parallel_loop3A_338 = arith.index_cast %parallel_loop3A_337 : i32 to index
      %parallel_loop3A_339 = tpu.vector_load %arg9[%parallel_loop3A_338] {strides = array<i32>} : memref<12288xf32, #tpu.memory_space<vmem>>, vector<16xf32>,
      %parallel_loop3A_340 = arith.subf %parallel_loop3A_335, %parallel_loop3A_327 : vector<16xf32>
      %parallel_loop3A_341 = arith.subf %parallel_loop3A_339, %parallel_loop3A_331 : vector<16xf32>
      %parallel_loop3A_342 = arith.constant 5.000000e-01 : f32
      %parallel_loop3A_343 = vector.broadcast %parallel_loop3A_342 : f32 to vector<16xf32>
      %parallel_loop3A_344 = arith.mulf %parallel_loop3A_343, %parallel_loop3A_340 : vector<16xf32>
      %parallel_loop3A_345 = arith.addf %parallel_loop3A_327, %parallel_loop3A_344 : vector<16xf32>
      %parallel_loop3A_346 = arith.constant 5.000000e-01 : f32
      %parallel_loop3A_347 = vector.broadcast %parallel_loop3A_346 : f32 to vector<16xf32>
      %parallel_loop3A_348 = arith.mulf %parallel_loop3A_347, %parallel_loop3A_341 : vector<16xf32>
      %parallel_loop3A_349 = arith.addf %parallel_loop3A_331, %parallel_loop3A_348 : vector<16xf32>
      %parallel_loop3A_350 = arith.constant 4.13516665 : f32
      %parallel_loop3A_351 = vector.broadcast %parallel_loop3A_350 : f32 to vector<16xf32>
      %parallel_loop3A_352 = arith.minimumf %parallel_loop3A_311, %parallel_loop3A_351 : vector<16xf32>
      %parallel_loop3A_353 = arith.constant 4.13516665 : f32
      %parallel_loop3A_354 = vector.broadcast %parallel_loop3A_353 : f32 to vector<16xf32>
      %parallel_loop3A_355 = arith.minimumf %parallel_loop3A_315, %parallel_loop3A_354 : vector<16xf32>
      %parallel_loop3A_356 = arith.mulf %parallel_loop3A_303, %parallel_loop3A_340 : vector<16xf32>
      %parallel_loop3A_357 = arith.addf %parallel_loop3A_356, %parallel_loop3A_345 : vector<16xf32>
      %parallel_loop3A_358 = arith.mulf %parallel_loop3A_307, %parallel_loop3A_341 : vector<16xf32>
      %parallel_loop3A_359 = arith.addf %parallel_loop3A_358, %parallel_loop3A_349 : vector<16xf32>
      %parallel_loop3A_360 = math.exp %parallel_loop3A_352 : vector<16xf32>
      %parallel_loop3A_361 = arith.mulf %parallel_loop3A_360, %parallel_loop3A_340 : vector<16xf32>
      %parallel_loop3A_362 = arith.constant 5.000000e-01 : f32
      %parallel_loop3A_363 = vector.broadcast %parallel_loop3A_362 : f32 to vector<16xf32>
      %parallel_loop3A_364 = arith.mulf %parallel_loop3A_363, %parallel_loop3A_361 : vector<16xf32>
      %parallel_loop3A_365 = math.exp %parallel_loop3A_355 : vector<16xf32>
      %parallel_loop3A_366 = arith.mulf %parallel_loop3A_365, %parallel_loop3A_341 : vector<16xf32>
      %parallel_loop3A_367 = arith.constant 5.000000e-01 : f32
      %parallel_loop3A_368 = vector.broadcast %parallel_loop3A_367 : f32 to vector<16xf32>
      %parallel_loop3A_369 = arith.mulf %parallel_loop3A_368, %parallel_loop3A_366 : vector<16xf32>
      %parallel_loop3A_370 = arith.subf %parallel_loop3A_357, %parallel_loop3A_364 : vector<16xf32>
      %parallel_loop3A_371 = arith.index_cast %parallel_loop3A_325 : i32 to index
      %parallel_loop3A_372 = tpu.vector_load %arg10[%parallel_loop3A_371] {strides = array<i32>} : memref<12288xf32, #tpu.memory_space<vmem>>, vector<16xf32>,
      tpu.vector_store %arg10[%parallel_loop3A_371], %parallel_loop3A_370 {strides = array<i32>} : memref<12288xf32, #tpu.memory_space<vmem>>, vector<16xf32>,
      %parallel_loop3A_373 = arith.subf %parallel_loop3A_359, %parallel_loop3A_369 : vector<16xf32>
      %parallel_loop3A_374 = arith.constant 128 : i32
      %parallel_loop3A_375 = arith.addi %parallel_loop3A_325, %parallel_loop3A_374 : i32
      %parallel_loop3A_376 = arith.index_cast %parallel_loop3A_375 : i32 to index
      %parallel_loop3A_377 = tpu.vector_load %arg10[%parallel_loop3A_376] {strides = array<i32>} : memref<12288xf32, #tpu.memory_space<vmem>>, vector<16xf32>,
      tpu.vector_store %arg10[%parallel_loop3A_376], %parallel_loop3A_373 {strides = array<i32>} : memref<12288xf32, #tpu.memory_space<vmem>>, vector<16xf32>,
      %parallel_loop3A_378 = arith.addf %parallel_loop3A_357, %parallel_loop3A_364 : vector<16xf32>
      %parallel_loop3A_379 = arith.constant 256 : i32
      %parallel_loop3A_380 = arith.addi %parallel_loop3A_325, %parallel_loop3A_379 : i32
      %parallel_loop3A_381 = arith.index_cast %parallel_loop3A_380 : i32 to index
      %parallel_loop3A_382 = tpu.vector_load %arg10[%parallel_loop3A_381] {strides = array<i32>} : memref<12288xf32, #tpu.memory_space<vmem>>, vector<16xf32>,
      tpu.vector_store %arg10[%parallel_loop3A_381], %parallel_loop3A_378 {strides = array<i32>} : memref<12288xf32, #tpu.memory_space<vmem>>, vector<16xf32>,
      %parallel_loop3A_383 = arith.addf %parallel_loop3A_359, %parallel_loop3A_369 : vector<16xf32>
      %parallel_loop3A_384 = arith.constant 384 : i32
      %parallel_loop3A_385 = arith.addi %parallel_loop3A_325, %parallel_loop3A_384 : i32
      %parallel_loop3A_386 = arith.index_cast %parallel_loop3A_385 : i32 to index
      %parallel_loop3A_387 = tpu.vector_load %arg10[%parallel_loop3A_386] {strides = array<i32>} : memref<12288xf32, #tpu.memory_space<vmem>>, vector<16xf32>,
      tpu.vector_store %arg10[%parallel_loop3A_386], %parallel_loop3A_383 {strides = array<i32>} : memref<12288xf32, #tpu.memory_space<vmem>>, vector<16xf32>,
      %parallel_loop3A_388 = arith.constant 16 : i32
      %parallel_loop3A_389 = arith.muli %parallel_loop3A_276, %parallel_loop3A_388 : i32
      %parallel_loop3A_390 = arith.index_cast %parallel_loop3A_389 : i32 to index
      %parallel_loop3A_391 = tpu.vector_load %arg11[%parallel_loop3A_390] {strides = array<i32>} : memref<3072xf32, #tpu.memory_space<vmem>>, vector<16xf32>,
      tpu.vector_store %arg11[%parallel_loop3A_390], %parallel_loop3A_316 {strides = array<i32>} : memref<3072xf32, #tpu.memory_space<vmem>>, vector<16xf32>,
    } {sc.loop_unroll_factor = 4 : i64, sc.parallel_access}
    %mul3A_230 = arith.constant 2 : i32
    %mul3A_231 = arith.muli %mul3A_230, %add3A : i32
    %add3A_232 = arith.constant 1 : i32
    %add3A_233 = arith.addi %mul3A_231, %add3A_232 : i32
    %mul3A_234 = arith.constant 6144 : i32
    %mul3A_235 = arith.muli %add3A_233, %mul3A_234 : i32
    %dma_start3A_236 = arith.constant 6144 : i32
    %dma_start3A_237 = tpu.memref_slice %arg10[%dma_start3A_236] : memref<12288xf32, #tpu.memory_space<vmem>> -> memref<6144xf32, #tpu.memory_space<vmem>>
    %dma_start3A_238 = tpu.memref_slice %arg5[%mul3A_235] : memref<393216xf32, #tpu.memory_space<hbm>> -> memref<6144xf32, #tpu.memory_space<hbm>>
    %dma_start3A_239 = tpu.memref_slice %arg5[%mul3A_235] : memref<393216xf32, #tpu.memory_space<hbm>> -> memref<6144xf32, #tpu.memory_space<hbm>>
    %dma_start3A_240 = arith.constant 6144 : i32
    %dma_start3A_241 = tpu.memref_slice %arg10[%dma_start3A_240] : memref<12288xf32, #tpu.memory_space<vmem>> -> memref<6144xf32, #tpu.memory_space<vmem>>
    tpu.enqueue_dma source(%dma_start3A_241 : memref<6144xf32, #tpu.memory_space<vmem>>) target(%dma_start3A_239 : memref<6144xf32, #tpu.memory_space<hbm>>) target_semaphore(%arg12 : memref<!tpu.dma_semaphore, #tpu.memory_space<semaphore_mem>>)
    %mul3A_242 = arith.constant 3072 : i32
    %mul3A_243 = arith.muli %add3A, %mul3A_242 : i32
    %add3A_244 = arith.constant 1536 : i32
    %add3A_245 = arith.addi %mul3A_243, %add3A_244 : i32
    %dma_start3A_246 = arith.constant 1536 : i32
    %dma_start3A_247 = tpu.memref_slice %arg11[%dma_start3A_246] : memref<3072xf32, #tpu.memory_space<vmem>> -> memref<1536xf32, #tpu.memory_space<vmem>>
    %dma_start3A_248 = tpu.memref_slice %arg6[%add3A_245] : memref<98304xf32, #tpu.memory_space<hbm>> -> memref<1536xf32, #tpu.memory_space<hbm>>
    %dma_start3A_249 = tpu.memref_slice %arg6[%add3A_245] : memref<98304xf32, #tpu.memory_space<hbm>> -> memref<1536xf32, #tpu.memory_space<hbm>>
    %dma_start3A_250 = arith.constant 1536 : i32
    %dma_start3A_251 = tpu.memref_slice %arg11[%dma_start3A_250] : memref<3072xf32, #tpu.memory_space<vmem>> -> memref<1536xf32, #tpu.memory_space<vmem>>
    tpu.enqueue_dma source(%dma_start3A_251 : memref<1536xf32, #tpu.memory_space<vmem>>) target(%dma_start3A_249 : memref<1536xf32, #tpu.memory_space<hbm>>) target_semaphore(%arg12 : memref<!tpu.dma_semaphore, #tpu.memory_space<semaphore_mem>>)
    %dma_wait3A_252 = arith.constant 0 : i32
    %dma_wait3A_253 = tpu.memref_slice %arg10[%dma_wait3A_252] : memref<12288xf32, #tpu.memory_space<vmem>> -> memref<6144xf32, #tpu.memory_space<vmem>>
    %dma_wait3A_254 = tpu.memref_slice %arg5[%mul3A_172] : memref<393216xf32, #tpu.memory_space<hbm>> -> memref<6144xf32, #tpu.memory_space<hbm>>
    %dma_wait3A_255 = tpu.memref_slice %arg5[%mul3A_172] : memref<393216xf32, #tpu.memory_space<hbm>> -> memref<6144xf32, #tpu.memory_space<hbm>>
    %dma_wait3A_256 = arith.constant 0 : i32
    %dma_wait3A_257 = tpu.memref_slice %arg10[%dma_wait3A_256] : memref<12288xf32, #tpu.memory_space<vmem>> -> memref<6144xf32, #tpu.memory_space<vmem>>
    tpu.wait_dma2 semaphore(%arg12 : memref<!tpu.dma_semaphore, #tpu.memory_space<semaphore_mem>>) src(%dma_wait3A_257 : memref<6144xf32, #tpu.memory_space<vmem>>) dst(%dma_wait3A_255 : memref<6144xf32, #tpu.memory_space<hbm>>)
    %dma_wait3A_258 = arith.constant 0 : i32
    %dma_wait3A_259 = tpu.memref_slice %arg11[%dma_wait3A_258] : memref<3072xf32, #tpu.memory_space<vmem>> -> memref<1536xf32, #tpu.memory_space<vmem>>
    %dma_wait3A_260 = tpu.memref_slice %arg6[%add3A_182] : memref<98304xf32, #tpu.memory_space<hbm>> -> memref<1536xf32, #tpu.memory_space<hbm>>
    %dma_wait3A_261 = tpu.memref_slice %arg6[%add3A_182] : memref<98304xf32, #tpu.memory_space<hbm>> -> memref<1536xf32, #tpu.memory_space<hbm>>
    %dma_wait3A_262 = arith.constant 0 : i32
    %dma_wait3A_263 = tpu.memref_slice %arg11[%dma_wait3A_262] : memref<3072xf32, #tpu.memory_space<vmem>> -> memref<1536xf32, #tpu.memory_space<vmem>>
    tpu.wait_dma2 semaphore(%arg12 : memref<!tpu.dma_semaphore, #tpu.memory_space<semaphore_mem>>) src(%dma_wait3A_263 : memref<1536xf32, #tpu.memory_space<vmem>>) dst(%dma_wait3A_261 : memref<1536xf32, #tpu.memory_space<hbm>>)
    %dma_wait3A_264 = arith.constant 6144 : i32
    %dma_wait3A_265 = tpu.memref_slice %arg10[%dma_wait3A_264] : memref<12288xf32, #tpu.memory_space<vmem>> -> memref<6144xf32, #tpu.memory_space<vmem>>
    %dma_wait3A_266 = tpu.memref_slice %arg5[%mul3A_235] : memref<393216xf32, #tpu.memory_space<hbm>> -> memref<6144xf32, #tpu.memory_space<hbm>>
    %dma_wait3A_267 = tpu.memref_slice %arg5[%mul3A_235] : memref<393216xf32, #tpu.memory_space<hbm>> -> memref<6144xf32, #tpu.memory_space<hbm>>
    %dma_wait3A_268 = arith.constant 6144 : i32
    %dma_wait3A_269 = tpu.memref_slice %arg10[%dma_wait3A_268] : memref<12288xf32, #tpu.memory_space<vmem>> -> memref<6144xf32, #tpu.memory_space<vmem>>
    tpu.wait_dma2 semaphore(%arg12 : memref<!tpu.dma_semaphore, #tpu.memory_space<semaphore_mem>>) src(%dma_wait3A_269 : memref<6144xf32, #tpu.memory_space<vmem>>) dst(%dma_wait3A_267 : memref<6144xf32, #tpu.memory_space<hbm>>)
    %dma_wait3A_270 = arith.constant 1536 : i32
    %dma_wait3A_271 = tpu.memref_slice %arg11[%dma_wait3A_270] : memref<3072xf32, #tpu.memory_space<vmem>> -> memref<1536xf32, #tpu.memory_space<vmem>>
    %dma_wait3A_272 = tpu.memref_slice %arg6[%add3A_245] : memref<98304xf32, #tpu.memory_space<hbm>> -> memref<1536xf32, #tpu.memory_space<hbm>>
    %dma_wait3A_273 = tpu.memref_slice %arg6[%add3A_245] : memref<98304xf32, #tpu.memory_space<hbm>> -> memref<1536xf32, #tpu.memory_space<hbm>>
    %dma_wait3A_274 = arith.constant 1536 : i32
    %dma_wait3A_275 = tpu.memref_slice %arg11[%dma_wait3A_274] : memref<3072xf32, #tpu.memory_space<vmem>> -> memref<1536xf32, #tpu.memory_space<vmem>>
    tpu.wait_dma2 semaphore(%arg12 : memref<!tpu.dma_semaphore, #tpu.memory_space<semaphore_mem>>) src(%dma_wait3A_275 : memref<1536xf32, #tpu.memory_space<vmem>>) dst(%dma_wait3A_273 : memref<1536xf32, #tpu.memory_space<hbm>>)
    return
  }
}

</mosaic_0001>

<sc_bundles>
// kernel: kernel.3.cloned.1.call-start
scs
__scs_entry_jumppad:
0x0: {  	(pc) =	sbr.rel $0x88, $3  }
0x1: {  	(tag) =	ssettag $0x0;
	lr =	simm.s32 $0x1  }
0x2: {  	[smem:$0x3F9E] =	sst lr;
	_ =	strace $0xD0000000  }
0x3: {  	_ = 	snop  }
0x4: {  	_ = 	snop  }
0x5: {  	_ = 	snop  }
0x6: {  	_ = 	snop  }
0x7: {  	_ = 	snop  }
__scs_overlays_trampoline_lowered:
0x8: {  	[smem:$0x3FAD] =	sst s0  }
0x9: {  	[smem:$0x3FAE] =	sst s1  }
0xa: {  	[smem:$0x3FAF] =	sst s2  }
0xb: {  	[smem:$0x3FB0] =	sst s3  }
0xc: {  	[smem:$0x3FB1] =	sst s4  }
0xd: {  	[smem:$0x3FB2] =	sst s5  }
0xe: {  	[smem:$0x3FB3] =	sst s6  }
0xf: {  	[smem:$0x3FB4] =	sst s7  }
0x10: {  	[smem:$0x3FB5] =	sst s8  }
0x11: {  	[smem:$0x3FB6] =	sst s9;
	s0 =	simm.s32 @!p0 $0x0  }
0x12: {  	s1 =	sld [smem:$0x3F9C];
	s0 =	simm.s32 @p0 $0x1  }
0x13: {  	[smem:$0x3FB7] =	sst s0;
	s0 =	simm.s32 @!p1 $0x0  }
0x14: {  	s2 =	sld [smem:$0x3F9B];
	s0 =	simm.s32 @p1 $0x1  }
0x15: {  	[smem:$0x3FB8] =	sst s0;
	s0 =	simm.s32 @!p2 $0x0  }
0x16: {  	s3 =	sld [smem:$0x3FDB];
	s0 =	simm.s32 @p2 $0x1  }
0x17: {  	s4 =	simm.s32 $0x1BF5;
	[smem:$0x3FBA] =	sst s0  }
0x18: {  	s0 =	sld [smem:$0x3F9D];
	_ =	swait.ge [sflag:s4], $0x0  }
0x19: {  	s7 =	sld [smem:$0x3F9E]  }
0x1a: {  	s8 =	sadd.s32 $0xFFFFE003, lr  }
0x1b: {  	s9 =	sadd.s32 $0xFFFFFEF7, lr;
	s5 =	simm.s32 $0xFFFFFFFF;
	p2 =	slt.u32 s8, $0xFFFFF086  }
0x1c: {  	p1 =	slt.u32 s9, $0xF7A;
	s5 =	simm.s32 @!p2 $0x0  }
0x1d: {  	s5 =	simm.s32 @p1 $0x1;
	p0 =	seq.s32 s7, s2  }
0x1e: {  	s7 =	smul.u32 @!p0 $0xF7A, s2;
	p2 =	seq.s32 @!p0 s5, $0x0  }
0x1f: {  	s9 =	smul.u32 $0xF7A, s1;
	s8 =	simm.s32 @!p0 $0x1BF5;
	p2 =	por !p2, p0  }
0x20: {  	[sflag:s8] =	ssyncset.s32 @!p0 $0xFFFFF086;
	s6 =	sadd.s32 @!p0 s3, s7;
	s7 =	simm.s32 @!p0 $0x108  }
0x21: {  	s3 =	sadd.s32 s3, s9;
	s6 =	sadd.s32 @!p0 $0x88, s6;
	s7 =	simm.s32 @p2 $0x1082  }
0x22: {  	[simem:s7], [sflag:s8] =	dma.local @!p0 [hbm:s6], $0xF7A  }
0x23: {  	s9 =	sor.u32 $0xD0000000, s2;
	s6 =	simm.s32 $0x108;
	_ =	swait.ge @!p0 [sflag:s8], $0x0  }
0x24: {  	s3 =	sadd.s32 $0x88, s3;
	s6 =	simm.s32 @!p1 $0x1082;
	[sflag:s4] =	ssyncset.s32 $0xFFFFF086  }
0x25: {  	[simem:s6], [sflag:s4] =	dma.local [hbm:s3], $0xF7A  }
0x26: {  	[smem:$0x3F9E] =	sst s1;
	(tag) =	ssettag s2;
	_ =	strace s9  }
0x27: {  	s1 =	sld [smem:$0x3FAE]  }
0x28: {  	s2 =	sld [smem:$0x3FAF]  }
0x29: {  	s4 =	sld [smem:$0x3FB1]  }
0x2a: {  	p0 =	seq.s32 s5, $0x0;
	s5 =	sld [smem:$0x3FB2]  }
0x2b: {  	s6 =	sld [smem:$0x3FB3]  }
0x2c: {  	s7 =	sld [smem:$0x3FB4]  }
0x2d: {  	s3 =	simm.s32 $0x108;
	s8 =	sld [smem:$0x3FB5]  }
0x2e: {  	s3 =	simm.s32 @!p0 $0x1082;
	s9 =	sld [smem:$0x3FB6]  }
0x2f: {  	lr =	sadd.s32 s0, s3;
	s0 =	sld [smem:$0x3FAD]  }
0x30: {  	s3 =	sld [smem:$0x3FB0]  }
0x31: {  	[smem:$0x3FB9] =	sst s10  }
0x32: {  	s10 =	sld [smem:$0x3FB7];
	_ =	sdelay $0x3  }
0x33: {  	p0 =	seq.s32 s10, $0x1;
	s10 =	sld [smem:$0x3FB9];
	_ =	sdelay $0x3  }
0x34: {  	[smem:$0x3FB9] =	sst s10  }
0x35: {  	s10 =	sld [smem:$0x3FB8];
	_ =	sdelay $0x3  }
0x36: {  	p1 =	seq.s32 s10, $0x1;
	s10 =	sld [smem:$0x3FB9];
	_ =	sdelay $0x3  }
0x37: {  	[smem:$0x3FB9] =	sst s10  }
0x38: {  	s10 =	sld [smem:$0x3FBA]  }
0x39: {  	_ = 	snop;
	(pc) =	sbr.ind lr, $3  }
0x3a: {  	_ = 	snop  }
0x3b: {  	_ = 	snop  }
0x3c: {  	p2 =	seq.s32 s10, $0x1;
	s10 =	sld [smem:$0x3FB9]  }
0x3d: {  	_ =	shalt  }
0x3e: {  	_ =	shalt  }
0x3f: {  	_ =	shalt  }
0x40: {  	_ =	shalt  }
0x41: {  	_ =	shalt  }
0x42: {  	_ =	shalt  }
0x43: {  	_ =	shalt  }
0x44: {  	_ =	shalt  }
0x45: {  	_ =	shalt  }
0x46: {  	_ =	shalt  }
0x47: {  	_ =	shalt  }
0x48: {  	_ =	shalt  }
0x49: {  	_ =	shalt  }
0x4a: {  	_ =	shalt  }
0x4b: {  	_ =	shalt  }
0x4c: {  	_ =	shalt  }
0x4d: {  	_ =	shalt  }
0x4e: {  	_ =	shalt  }
0x4f: {  	_ =	shalt  }
0x50: {  	_ =	shalt  }
0x51: {  	_ =	shalt  }
0x52: {  	_ =	shalt  }
0x53: {  	_ =	shalt  }
0x54: {  	_ =	shalt  }
0x55: {  	_ =	shalt  }
0x56: {  	_ =	shalt  }
0x57: {  	_ =	shalt  }
0x58: {  	_ =	shalt  }
0x59: {  	_ =	shalt  }
0x5a: {  	_ =	shalt  }
0x5b: {  	_ =	shalt  }
0x5c: {  	_ =	shalt  }
0x5d: {  	_ =	shalt  }
0x5e: {  	_ =	shalt  }
0x5f: {  	_ =	shalt  }
0x60: {  	_ =	shalt  }
0x61: {  	_ =	shalt  }
0x62: {  	_ =	shalt  }
0x63: {  	_ =	shalt  }
0x64: {  	_ =	shalt  }
0x65: {  	_ =	shalt  }
0x66: {  	_ =	shalt  }
0x67: {  	_ =	shalt  }
0x68: {  	_ =	shalt  }
0x69: {  	_ =	shalt  }
0x6a: {  	_ =	shalt  }
0x6b: {  	_ =	shalt  }
0x6c: {  	_ =	shalt  }
0x6d: {  	_ =	shalt  }
0x6e: {  	_ =	shalt  }
0x6f: {  	_ =	shalt  }
0x70: {  	_ =	shalt  }
0x71: {  	_ =	shalt  }
0x72: {  	_ =	shalt  }
0x73: {  	_ =	shalt  }
0x74: {  	_ =	shalt  }
0x75: {  	_ =	shalt  }
0x76: {  	_ =	shalt  }
0x77: {  	_ =	shalt  }
0x78: {  	_ =	shalt  }
0x79: {  	_ =	shalt  }
0x7a: {  	_ =	shalt  }
0x7b: {  	_ =	shalt  }
0x7c: {  	_ =	shalt  }
0x7d: {  	_ =	shalt  }
0x7e: {  	_ =	shalt  }
0x7f: {  	_ =	shalt  }
0x80: {  	_ =	shalt  }
0x81: {  	_ =	shalt  }
0x82: {  	_ =	shalt  }
0x83: {  	_ =	shalt  }
0x84: {  	_ =	shalt  }
0x85: {  	_ =	shalt  }
0x86: {  	_ =	shalt  }
0x87: {  	_ =	shalt  }
.Lfunc_end0:
.L_simem_size_0:
called_computation_lowered:
.L_overlay_start_0:
0x88: {  	s2 =	sld [smem:$0x3FD9]  }
0x89: {  	s3 =	sld [smem:$0x3FFE];
	_ =	sdelay $0x1  }
0x8a: {  	s1 =	srdreg.scid  }
0x8b: {  	s0 =	sand.u32 $0x1, s1  }
0x8c: {  	s15 =	sshll.u32 s0, $0xA;
	s2 =	sadd.s32 s3, s2  }
0x8d: {  	s2 =	sadd.s32 s2, s15  }
0x8e: {  	[smem:$0x3FC5] =	sst s2  }
0x8f: {  	_ = 	snop  }
0x90: {  	s2 =	sld [smem:$0x3FD0]  }
0x91: {  	s16 =	sld [smem:$0x3FC9]  }
0x92: {  	s4 =	sld [smem:$0x3FC8]  }
0x93: {  	s6 =	simm.s32 $0xA;
	s7 =	simm.s32 $0x10;
	s5 =	sld [smem:$0x3FC7]  }
0x94: {  	[smem:s7], [sflag:s6] =	dma.local [hbm:s2], $0x1  }
0x95: {  	_ =	swait.eq [sflag:s6], $0x1  }
0x96: {  	[sflag:s6] =	ssyncset.done $0x0  }
0x97: {  	s17 =	sld [smem:$0x10];
	[sflag:s6] =	ssyncadd.s32 $0xFFFFFFFF  }
0x98: {  	s18 =	sld [smem:$0x11];
	(tm) =	ssettm $0x1  }
0x99: {  	s19 =	sld [smem:$0x3FFB];
	_ =	sdelay $0x3  }
0x9a: {  	_ =	strace s19  }
0x9b: {  	s7 =	sld [smem:$0x3FFC];
	_ =	sdelay $0x3  }
0x9c: {  	_ =	strace s7  }
0x9d: {  	s7 =	sld [smem:$0x3FFD];
	_ =	sdelay $0x3  }
0x9e: {  	_ =	strace s7  }
0x9f: {  	_ =	strace $0x8FFFFFFF  }
0xa0: {  	s20 =	sld [smem:$0x3FDB];
	_ =	sdelay $0x1  }
0xa1: {  	s8 =	simm.s32 $_scs_section_size  }
0xa2: {  	s9 =	simm.s32 $_size__tile_overlayer_lowered;
	s10 =	simm.s32 $_tile_overlayer_lowered  }
0xa3: {  	s23 =	simm.s32 $0x1BFF;
	s22 =	sshll.u32 s10, $0x1;
	s7 =	sadd.s32 s8, s20  }
0xa4: {  	s11 =	simm.s32 $0x0;
	s21 =	sshll.u32 s9, $0x1;
	s9 =	sadd.s32 s22, s7  }
0xa5: {  	[timem:s11], [sflag:s23] =	dma.local [hbm:s9], s21  }
0xa6: {  	_ =	swait.ge [sflag:s23], s21  }
0xa7: {  	s8 =	ssub.s32 $0x0, s21;
	[sflag:s23] =	ssyncset.done $0x0  }
0xa8: {  	[sflag:s23] =	ssyncadd.s32 s8;
	_ =	sdelay $0x1  }
0xa9: {  	s24 =	simm.s32 $0x1B8B  }
0xaa: {  	_ =	swait.ge [sflag:s24], $0x1  }
0xab: {  	[sflag:s24] =	ssyncset.done $0x0  }
0xac: {  	s25 =	simm.s32 $0x1B8E;
	[sflag:s24] =	ssyncadd.s32 $0xFFFFFFFF  }
0xad: {  	s26 =	simm.s32 $execute0_lowered;
	[smem:$0x3FD2] =	sst s25  }
0xae: {  	s8 =	sshll.u32 s26, $0x1;
	_ =	strace $0x80000046;
	[dreg:$0x1] =	wrdreg $0xFFFFFFFF  }
0xaf: {  	s28 =	simm.s32 $_size_execute0_lowered;
	s7 =	sadd.s32 s7, s8;
	[dreg:$0x0] =	wrdreg $0x0  }
0xb0: {  	s8 =	sshll.u32 s28, $0x1;
	[dreg:$0x2] =	wrdreg s7  }
0xb1: {  	[dreg:$0x3] =	wrdreg s8  }
0xb2: {  	[dreg:$0x4] =	wrdreg $0xC0  }
0xb3: {  	_ =	task [dreg:s11], $0x5FFFF  }
0xb4: {  	[dreg:$0x1] =	wrdreg $0xFFFFFFFF  }
0xb5: {  	[dreg:$0x0] =	wrdreg $0x60  }
0xb6: {  	[dreg:$0x2] =	wrdreg s16  }
0xb7: {  	[dreg:$0x3] =	wrdreg s4  }
0xb8: {  	[dreg:$0x4] =	wrdreg s5  }
0xb9: {  	[dreg:$0x5] =	wrdreg s17  }
0xba: {  	[dreg:$0x6] =	wrdreg s18  }
0xbb: {  	[dreg:$0x7] =	wrdreg $0x9  }
0xbc: {  	_ =	task.clear_ibuf [dreg:s11], $0x8FFFF;
	_ =	strace $0x90000046  }
0xbd: {  	s29 =	simm.s32 $0x9;
	_ =	strace $0x80000048  }
0xbe: {  	_ =	swait.ge [sflag:s29], $0x1  }
0xbf: {  	[sflag:s29] =	ssyncadd.s32 $0xFFFFFFFF  }
0xc0: {  	_ =	strace $0x90000048  }
0xc1: {  	_ =	sfence  }
0xc2: {  	s30 =	sld [smem:$0x0];
	_ =	sdelay $0x2  }
0xc3: {  	s31 =	sshll.u32 s1, $0xD;
	s1 =	sshrl.u32 s1, $0x2  }
0xc4: {  	s3 =	sand.u32 $0x4000, s31;
	s1 =	sadd.s32 s1, s30  }
0xc5: {  	s0 =	sor.u32 s3, s0;
	s1 =	sshll.u32 s1, $0x11  }
0xc6: {  	s0 =	sor.u32 s1, s0  }
0xc7: {  	s0 =	sadd.s32 $0x8F2B, s0  }
0xc8: {  	[sflag:s0] =	ssyncadd.remote.s32 $0x1  }
0xc9: {  	_ =	sfence.sel $0xFFFF  }
0xca: {  	[dreg:$0x0] =	wrdreg $0xFFFFFFFF;
	(pc) =	sbr.abs _section_cstart, $3  }
0xcb: {  	[dreg:$0x1] =	wrdreg $0xFFFFFFFF  }
0xcc: {  	_ =	task.clear_ibuf [dreg:s11], $0x2FFFF;
	_ =	strace $0x9FFFFFFF  }
0xcd: {  	(tm) =	ssettm $0x7FFFFFFF  }
tec
execute0_lowered:
.L_overlay_start_1:
0x0: {  	(tag) =	ssettag $0x1  }
0x1: {  	s0 =	rddreg [dreg:$0x0]  }
0x2: {  	s1 =	rddreg [dreg:$0x1]  }
0x3: {  	s3 =	rddreg [dreg:$0x2]  }
0x4: {  	s4 =	rddreg [dreg:$0x3]  }
0x5: {  	s5 =	rddreg [dreg:$0x4];
	s8 =	stileid.u32  }
0x6: {  	s6 =	srdreg.scid;
	s7 =	sshll.u32 s8, $0x1;
	s8 =	sshrl.u32 s8, $0x3  }
0x7: {  	s2 =	simm.s32 $0x0;
	s6 =	sand.u32 $0x1, s6;
	s21 =	smul.u32 $0xC000, s8  }
0x8: {  	s9 =	ssub.s32 $0x2, s6;
	s6 =	sor.u32 s6, s7;
	s8 =	smul.u32 $0x30000, s8  }
0x9: {  	[smem:$0x7FF] =	sst s2;
	s11 =	sshll.u32 s6, $0xA;
	s23 =	smul.u32 $0x600, s6  }
0xa: {  	_ =	strace $0x80000047;
	s24 =	smul.u32 $0x3000, s6;
	s22 =	sand.u32 $0x3C00, s11  }
0xb: {  	s7 =	sor.u32 s21, s22;
	s8 =	sor.u32 s8, s22;
	s26 =	sadd.s32 s3, s23  }
0xc: {  	s31 =	sadd.s32 s4, s23;
	s7 =	sshrl.u32 s7, $0x3;
	[dreg:$0x8] =	wrdreg s26  }
0xd: {  	s8 =	sshrl.u32 s8, $0x3;
	[dreg:$0xc] =	wrdreg s31;
	s7 =	sadd.s32 s0, s7  }
0xe: {  	s25 =	smul.u32 $0xC00, s6;
	s8 =	sadd.s32 s1, s8;
	[dreg:$0x6] =	wrdreg s7  }
0xf: {  	s29 =	sshrl.u32 s24, $0x3;
	s28 =	sadd.s32 $0x40, s7;
	[dreg:$0x7] =	wrdreg s8  }
0x10: {  	s1 =	sadd.s32 $0x300, s29;
	s30 =	sadd.s32 $0x40, s8;
	[dreg:$0x9] =	wrdreg s28  }
0x11: {  	s3 =	sadd.s32 s3, s1;
	[dreg:$0xa] =	wrdreg s30  }
0x12: {  	s0 =	sshrl.u32 s25, $0x3;
	s1 =	sadd.s32 s4, s1;
	[dreg:$0xb] =	wrdreg s3  }
0x13: {  	s0 =	sadd.s32 s5, s0;
	[dreg:$0xe] =	wrdreg s1  }
0x14: {  	s4 =	sadd.s32 $0x1000, s7;
	[dreg:$0xd] =	wrdreg s0  }
0x15: {  	s5 =	sadd.s32 $0x800, s8;
	[dreg:$0x12] =	wrdreg s4  }
0x16: {  	s10 =	sshrl.u32 s9, $0x1;
	s6 =	sadd.s32 $0x1000, s8;
	[dreg:$0x13] =	wrdreg s5  }
0x17: {  	s9 =	ssub.s32 s9, s10;
	s10 =	sadd.s32 $0x2000, s8;
	[dreg:$0x14] =	wrdreg s6  }
0x18: {  	s11 =	sadd.s32 $0x2800, s8;
	[dreg:$0x16] =	wrdreg s10  }
0x19: {  	s12 =	sadd.s32 $0x3000, s8;
	[dreg:$0x17] =	wrdreg s11  }
0x1a: {  	s13 =	sadd.s32 $0x3800, s8;
	[dreg:$0x18] =	wrdreg s12  }
0x1b: {  	s14 =	sadd.s32 $0x4000, s8;
	[dreg:$0x19] =	wrdreg s13  }
0x1c: {  	s15 =	sadd.s32 $0x4800, s8;
	[dreg:$0x1a] =	wrdreg s14  }
0x1d: {  	s16 =	sadd.s32 $0x5000, s8;
	[dreg:$0x1b] =	wrdreg s15  }
0x1e: {  	s17 =	sadd.s32 $0x5800, s8;
	[dreg:$0x1c] =	wrdreg s16  }
0x1f: {  	s18 =	sadd.s32 $0x840, s7;
	[dreg:$0x1d] =	wrdreg s17  }
0x20: {  	s19 =	sadd.s32 $0x1040, s7;
	[dreg:$0x1e] =	wrdreg s18  }
0x21: {  	s20 =	sadd.s32 $0x840, s8;
	[dreg:$0x1f] =	wrdreg s19  }
0x22: {  	s21 =	sadd.s32 $0x1040, s8;
	[smem:$0x7F3] =	sst s20  }
0x23: {  	s22 =	sadd.s32 $0x1840, s8;
	[smem:$0x7F4] =	sst s21  }
0x24: {  	s23 =	sadd.s32 $0x2040, s8;
	[smem:$0x7F5] =	sst s22  }
0x25: {  	s24 =	sadd.s32 $0x2840, s8;
	[smem:$0x7F6] =	sst s23  }
0x26: {  	s25 =	sadd.s32 $0x3040, s8;
	[smem:$0x7F7] =	sst s24  }
0x27: {  	s26 =	sadd.s32 $0x3840, s8;
	[smem:$0x7F8] =	sst s25  }
0x28: {  	s29 =	sadd.s32 $0x4840, s8;
	[smem:$0x7F9] =	sst s26  }
0x29: {  	s31 =	sadd.s32 $0x5840, s8;
	[smem:$0x7FB] =	sst s29  }
0x2a: {  	s0 =	sadd.s32 $0xC0, s0;
	[smem:$0x7FD] =	sst s31  }
0x2b: {  	s1 =	smax.u32 s9, $0x1;
	[dreg:$0xf] =	wrdreg s0  }
0x2c: {  	s3 =	sadd.s32 $0x800, s7;
	[dreg:$0x10] =	wrdreg s1  }
0x2d: {  	s9 =	sadd.s32 $0x1800, s8;
	[dreg:$0x11] =	wrdreg s3  }
0x2e: {  	s28 =	sadd.s32 $0x4040, s8;
	[dreg:$0x15] =	wrdreg s9  }
0x2f: {  	s30 =	sadd.s32 $0x5040, s8;
	s13 =	simm.s32 $0xC00;
	[smem:$0x7FA] =	sst s28  }
0x30: {  	v0 =	vlaneseq.u32;
	s5 =	simm.s32 $0x1;
	[smem:$0x7FC] =	sst s30;
	s1 =	simm.s32 $0x0  }
.LBB2_1:
0x31: {  	s0 =	rddreg [dreg:$0x6]  }
0x32: {  	s7 =	rddreg [dreg:$0x11]  }
0x33: {  	s9 =	rddreg [dreg:$0x12]  }
0x34: {  	[tilespmem:s2], [sflag:$0x1] =	stream.linear.gather [hbm4b:s0+s2], $0x200, $0x38;
	[tilespmem:$0xA800] =	vst v63  }
0x35: {  	s8 =	simm.s32 $0x400;
	s11 =	rddreg [dreg:$0x7]  }
0x36: {  	[tilespmem:s8], [sflag:$0x1] =	stream.linear.gather [hbm4b:s7+s2], $0x200, $0x38;
	[tilespmem:$0xA800] =	vst v63  }
0x37: {  	s10 =	simm.s32 $0x800;
	s12 =	rddreg [dreg:$0x13]  }
0x38: {  	[tilespmem:s10], [sflag:$0x1] =	stream.linear.gather [hbm4b:s9+s2], $0x200, $0x38;
	[tilespmem:$0xA800] =	vst v63  }
0x39: {  	s15 =	rddreg [dreg:$0x14]  }
0x3a: {  	[tilespmem:s13], [sflag:$0x1] =	stream.linear.gather [hbm4b:s11+s2], $0x200, $0x38;
	[tilespmem:$0xA800] =	vst v63  }
0x3b: {  	s14 =	simm.s32 $0x1000;
	s17 =	rddreg [dreg:$0x15]  }
0x3c: {  	[tilespmem:s14], [sflag:$0x1] =	stream.linear.gather [hbm4b:s12+s2], $0x200, $0x38;
	[tilespmem:$0xA800] =	vst v63  }
0x3d: {  	s16 =	simm.s32 $0x1400;
	s19 =	rddreg [dreg:$0x16]  }
0x3e: {  	[tilespmem:s16], [sflag:$0x1] =	stream.linear.gather [hbm4b:s15+s2], $0x200, $0x38;
	[tilespmem:$0xA800] =	vst v63  }
0x3f: {  	s18 =	simm.s32 $0x1800;
	s21 =	rddreg [dreg:$0x17]  }
0x40: {  	[tilespmem:s18], [sflag:$0x1] =	stream.linear.gather [hbm4b:s17+s2], $0x200, $0x38;
	[tilespmem:$0xA800] =	vst v63  }
0x41: {  	s20 =	simm.s32 $0x1C00;
	s23 =	rddreg [dreg:$0x18]  }
0x42: {  	[tilespmem:s20], [sflag:$0x1] =	stream.linear.gather [hbm4b:s19+s2], $0x200, $0x38;
	[tilespmem:$0xA800] =	vst v63  }
0x43: {  	s22 =	simm.s32 $0x2000;
	s25 =	rddreg [dreg:$0x19]  }
0x44: {  	[tilespmem:s22], [sflag:$0x1] =	stream.linear.gather [hbm4b:s21+s2], $0x200, $0x38;
	[tilespmem:$0xA800] =	vst v63  }
0x45: {  	s24 =	simm.s32 $0x2400;
	s3 =	rddreg [dreg:$0x1a]  }
0x46: {  	[tilespmem:s24], [sflag:$0x1] =	stream.linear.gather [hbm4b:s23+s2], $0x200, $0x38;
	[tilespmem:$0xA800] =	vst v63  }
0x47: {  	s26 =	simm.s32 $0x2800;
	s6 =	rddreg [dreg:$0x1b]  }
0x48: {  	[tilespmem:s26], [sflag:$0x1] =	stream.linear.gather [hbm4b:s25+s2], $0x200, $0x38;
	[tilespmem:$0xA800] =	vst v63  }
0x49: {  	s4 =	simm.s32 $0x2C00;
	s8 =	rddreg [dreg:$0x1c]  }
0x4a: {  	[tilespmem:s4], [sflag:$0x1] =	stream.linear.gather [hbm4b:s3+s2], $0x200, $0x38;
	[tilespmem:$0xA800] =	vst v63  }
0x4b: {  	s7 =	simm.s32 $0x3000;
	s10 =	rddreg [dreg:$0x1d]  }
0x4c: {  	[tilespmem:s7], [sflag:$0x1] =	stream.linear.gather [hbm4b:s6+s2], $0x200, $0x38;
	[tilespmem:$0xA800] =	vst v63  }
0x4d: {  	s9 =	simm.s32 $0x3400;
	s12 =	rddreg [dreg:$0x8]  }
0x4e: {  	[tilespmem:s9], [sflag:$0x1] =	stream.linear.gather [hbm4b:s8+s2], $0x200, $0x38;
	[tilespmem:$0xA800] =	vst v63  }
0x4f: {  	s11 =	simm.s32 $0x3800;
	s15 =	rddreg [dreg:$0x9]  }
0x50: {  	[tilespmem:s11], [sflag:$0x1] =	stream.linear.gather [hbm4b:s10+s2], $0x200, $0x38;
	[tilespmem:$0xA800] =	vst v63  }
0x51: {  	s14 =	simm.s32 $0x3C00;
	s17 =	rddreg [dreg:$0x1e]  }
0x52: {  	[tilespmem:s14], [sflag:$0x1] =	stream.linear.gather [hbm4b:s12+s2], $0x1800, $0x38;
	[tilespmem:$0xA800] =	vst v63  }
0x53: {  	s16 =	simm.s32 $0x200;
	s19 =	rddreg [dreg:$0x1f]  }
0x54: {  	[tilespmem:s16], [sflag:$0x1] =	stream.linear.gather [hbm4b:s15+s2], $0x200, $0x38;
	[tilespmem:$0xA800] =	vst v63  }
0x55: {  	s18 =	simm.s32 $0x600;
	s21 =	rddreg [dreg:$0xa]  }
0x56: {  	[tilespmem:s18], [sflag:$0x1] =	stream.linear.gather [hbm4b:s17+s2], $0x200, $0x38;
	[tilespmem:$0xA800] =	vst v63  }
0x57: {  	s20 =	simm.s32 $0xA00;
	s23 =	sld [smem:$0x7F3]  }
0x58: {  	[tilespmem:s20], [sflag:$0x1] =	stream.linear.gather [hbm4b:s19+s2], $0x200, $0x38;
	[tilespmem:$0xA800] =	vst v63  }
0x59: {  	s22 =	simm.s32 $0xE00;
	s25 =	sld [smem:$0x7F4]  }
0x5a: {  	[tilespmem:s22], [sflag:$0x1] =	stream.linear.gather [hbm4b:s21+s2], $0x200, $0x38;
	[tilespmem:$0xA800] =	vst v63  }
0x5b: {  	s24 =	simm.s32 $0x1200;
	s3 =	sld [smem:$0x7F5]  }
0x5c: {  	[tilespmem:s24], [sflag:$0x1] =	stream.linear.gather [hbm4b:s23+s2], $0x200, $0x38;
	[tilespmem:$0xA800] =	vst v63  }
0x5d: {  	s26 =	simm.s32 $0x1600;
	s6 =	sld [smem:$0x7F6]  }
0x5e: {  	[tilespmem:s26], [sflag:$0x1] =	stream.linear.gather [hbm4b:s25+s2], $0x200, $0x38;
	[tilespmem:$0xA800] =	vst v63  }
0x5f: {  	s4 =	simm.s32 $0x1A00;
	s8 =	sld [smem:$0x7F7]  }
0x60: {  	[tilespmem:s4], [sflag:$0x1] =	stream.linear.gather [hbm4b:s3+s2], $0x200, $0x38;
	[tilespmem:$0xA800] =	vst v63  }
0x61: {  	s7 =	simm.s32 $0x1E00;
	s10 =	sld [smem:$0x7F8]  }
0x62: {  	[tilespmem:s7], [sflag:$0x1] =	stream.linear.gather [hbm4b:s6+s2], $0x200, $0x38;
	[tilespmem:$0xA800] =	vst v63  }
0x63: {  	s9 =	simm.s32 $0x2200;
	s12 =	sld [smem:$0x7F9]  }
0x64: {  	[tilespmem:s9], [sflag:$0x1] =	stream.linear.gather [hbm4b:s8+s2], $0x200, $0x38;
	[tilespmem:$0xA800] =	vst v63  }
0x65: {  	s11 =	simm.s32 $0x2600;
	s15 =	sld [smem:$0x7FA]  }
0x66: {  	[tilespmem:s11], [sflag:$0x1] =	stream.linear.gather [hbm4b:s10+s2], $0x200, $0x38;
	[tilespmem:$0xA800] =	vst v63  }
0x67: {  	s14 =	simm.s32 $0x2A00;
	s17 =	sld [smem:$0x7FB]  }
0x68: {  	[tilespmem:s14], [sflag:$0x1] =	stream.linear.gather [hbm4b:s12+s2], $0x200, $0x38;
	[tilespmem:$0xA800] =	vst v63  }
0x69: {  	s16 =	simm.s32 $0x2E00;
	s18 =	simm.s32 $0x3200;
	s19 =	sld [smem:$0x7FC]  }
0x6a: {  	[tilespmem:s16], [sflag:$0x1] =	stream.linear.gather [hbm4b:s15+s2], $0x200, $0x38;
	[tilespmem:$0xA800] =	vst v63  }
0x6b: {  	s20 =	simm.s32 $0x3600;
	s21 =	simm.s32 $0x20;
	s22 =	simm.s32 $0x30  }
0x6c: {  	v1 =	vor.u32 s21, v0;
	[tilespmem:s18], [sflag:$0x1] =	stream.linear.gather [hbm4b:s17+s2], $0x200, $0x38;
	[tilespmem:$0xA800] =	vst v63  }
0x6d: {  	v2 =	vmul.u32 $0x5556, v1;
	s3 =	sld [smem:$0x7FD];
	s6 =	simm.s32 $0x0;
	s7 =	simm.s32 $0x10  }
0x6e: {  	v6 =	vor.u32 s22, v0;
	[tilespmem:s20], [sflag:$0x1] =	stream.linear.gather [hbm4b:s19+s2], $0x200, $0x38;
	[tilespmem:$0xA800] =	vst v63  }
0x6f: {  	[smem:$0x7F2] =	sst s1;
	v9 =	vshrl.u32 v2, $0x10;
	s4 =	simm.s32 $0x3A00;
	v5 =	vor.u32 s6, v0;
	v7 =	vor.u32 s7, v0  }
0x70: {  	v2 =	vmul.u32 $0xFFFFFFFD, v9;
	v3 =	vmul.u32 $0x5556, v5;
	v4 =	vmul.u32 $0x5556, v7;
	[tilespmem:s4], [sflag:$0x1] =	stream.linear.gather [hbm4b:s3+s2], $0x200, $0x38;
	[tilespmem:$0xA800] =	vst v63  }
0x71: {  	v8 =	vmul.u32 $0x5556, v6;
	s8 =	rddreg [dreg:$0xb];
	s9 =	simm.s32 $0x5400  }
0x72: {  	v10 =	vshrl.u32 v3, $0x10;
	v11 =	vshrl.u32 v4, $0x10;
	v4 =	vadd.s32 v1, v2;
	[tilespmem:s9], [sflag:$0x1] =	stream.linear.gather [hbm4b:s8+s2], $0x1800, $0x38;
	[tilespmem:$0xA800] =	vst v63  }
0x73: {  	v2 =	vand.u32 $0x7F, v9;
	v3 =	vand.u32 $0x7F80, v9;
	v12 =	vmul.u32 $0xFFFFFFFD, v10;
	_ =	swait.ge [sflag:s5], $0x600  }
0x74: {  	v13 =	vand.u32 $0x7F, v10;
	v14 =	vmul.u32 $0xFFFFFFFD, v11;
	v10 =	vand.u32 $0x7F80, v10;
	[sflag:s5] =	ssyncset.done $0x0  }
0x75: {  	v9 =	vshll.u32 v4, $0xC;
	v1 =	vor.u32 v2, v3;
	v16 =	vor.u32 v13, v10;
	[sflag:s5] =	ssyncadd.s32 $0xFFFFFA00  }
0x76: {  	v5 =	vadd.s32 v5, v12;
	v7 =	vadd.s32 v7, v14;
	v12 =	vadd.s32 v9, v1;
	_ =	swait.ge [sflag:s5], $0x1800  }
0x77: {  	v1 =	vand.u32 $0x7F, v11;
	v14 =	vadd.s32 $0x800, v12;
	v15 =	vshll.u32 v5, $0xC;
	[sflag:s5] =	ssyncset.done $0x0  }
0x78: {  	v11 =	vand.u32 $0x7F80, v11;
	v17 =	vadd.s32 $0xC00, v12;
	v16 =	vadd.s32 v15, v16;
	[sflag:s5] =	ssyncadd.s32 $0xFFFFE800  }
0x79: {  	v18 =	vshll.u32 v7, $0xC;
	v19 =	vor.u32 v1, v11;
	v20 =	vadd.s32 $0x800, v16;
	_ =	swait.ge [sflag:s5], $0x1800  }
0x7a: {  	v8 =	vshrl.u32 v8, $0x10;
	v19 =	vadd.s32 v18, v19;
	v22 =	vadd.s32 $0xC00, v16;
	[sflag:s5] =	ssyncset.done $0x0  }
0x7b: {  	v21 =	vmul.u32 $0xFFFFFFFD, v8;
	v23 =	vadd.s32 $0x800, v19;
	[sflag:s5] =	ssyncadd.s32 $0xFFFFE800  }
0x7c: {  	v14 =	vld.idx.msk [tilespmem:v14+s13+$0x0], $0xffff  }
0x7d: {  	v6 =	vadd.s32 v6, v21;
	v17 =	vld.idx.msk [tilespmem:v17+s13+$0x0], $0xffff  }
0x7e: {  	v21 =	vand.u32 $0x7F, v8;
	v8 =	vand.u32 $0x7F80, v8;
	s10 =	sand.u32 $0x3, s2;
	v9 =	vadd.s32 v3, v9;
	v20 =	vld.idx.msk [tilespmem:v20+s13+$0x0], $0xffff  }
0x7f: {  	s0 =	sand.u32 $0x60, s21;
	v24 =	vshll.u32 v6, $0xC;
	v25 =	vor.u32 v21, v8;
	s11 =	sshll.u32 s10, $0x5;
	s12 =	sand.u32 $0x1E00, s2;
	v9 =	vor.u32 v2, v9;
	v22 =	vld.idx.msk [tilespmem:v22+s13+$0x0], $0xffff  }
0x80: {  	v25 =	vadd.s32 v24, v25;
	v12 =	vadd.s32 $0x400, v12;
	s4 =	sadd.s32 $0x0, s11;
	s5 =	sor.u32 s12, s0;
	v23 =	vld.idx.msk [tilespmem:v23+s13+$0x0], $0xffff  }
0x81: {  	v28 =	vadd.s32 $0xC00, v25;
	s14 =	sadd.s32 $0x20, s4;
	v29 =	vld [tilespmem:s5+$0x3C00]  }
0x82: {  	p0 =	por $0x0, $0x0;
	s23 =	sor.u32 $0x100, s14;
	s8 =	simm.s32 $0x1;
	v30 =	vld [tilespmem:s5+$0x3C80]  }
0x83: {  	v6 =	vshll.u32 v6, $0xA;
	v24 =	vadd.s32 v8, v24;
	s8 =	simm.s32 @!p0 $0x0;
	v31 =	vld [tilespmem:s23+$0x3C00]  }
0x84: {  	v6 =	vadd.s32 v8, v6;
	v27 =	vadd.s32 $0x800, v25;
	v4 =	vshll.u32 v4, $0xA;
	s17 =	sshll.u32 s8, $0x6;
	v9 =	vld.idx.msk [tilespmem:v9+s13+$0x0], $0xffff  }
0x85: {  	v24 =	vor.u32 v21, v24;
	v25 =	vadd.s32 $0x400, v25;
	v4 =	vadd.s32 v3, v4;
	s15 =	sand.u32 $0x7, s2;
	s4 =	sadd.s32 $0x0, s17;
	v12 =	vld.idx.msk [tilespmem:v12+s13+$0x0], $0xffff  }
0x86: {  	v5 =	vshll.u32 v5, $0xA;
	v7 =	vshll.u32 v7, $0xA;
	v15 =	vadd.s32 v10, v15;
	s18 =	sand.u32 $0x40, s6;
	s25 =	sor.u32 $0x100, s4;
	s0 =	sshll.u32 s15, $0x4;
	v46 =	vld.idx.msk [tilespmem:v28+s13+$0x0], $0xffff  }
0x87: {  	v18 =	vadd.s32 v11, v18;
	v5 =	vadd.s32 v10, v5;
	s26 =	sor.u32 s18, s12;
	s19 =	sand.u32 $0x50, s7;
	s0 =	sadd.s32 $0x0, s0;
	v49 =	vld [tilespmem:s25+$0x3C00];
	v14 =	vmin.f32 v14, $4.135166650e+00  }
0x88: {  	v7 =	vadd.s32 v11, v7;
	v26 =	vadd.s32 $0xC00, v19;
	s7 =	sor.u32 s12, s19;
	v50 =	vld [tilespmem:s26+$0x3C00];
	s16 =	sadd.s32 $0x10, s0;
	v14 =	vmul.f32 $1.442695020e+00, v14  }
0x89: {  	v15 =	vor.u32 v13, v15;
	v52 =	vor.u32 v1, v7;
	v7 =	vld [tilespmem:s7+$0x3C80];
	s9 =	sadd.s32 $0x30, s0;
	s0 =	sor.u32 $0x180, s16;
	v17 =	vmin.f32 v17, $4.135166650e+00  }
0x8a: {  	v16 =	vadd.s32 $0x400, v16;
	v47 =	vld [tilespmem:s0+$0x3C00];
	v17 =	vmul.f32 $1.442695020e+00, v17;
	(erf) = vpow2.f32 v14  }
0x8b: {  	v18 =	vor.u32 v1, v18;
	v19 =	vadd.s32 $0x400, v19;
	s24 =	sor.u32 $0x180, s14;
	v10 =	vmin.f32 v20, $4.135166650e+00;
	v20 =	vld.idx.msk [tilespmem:v27+s13+$0x0], $0xffff  }
0x8c: {  	v8 =	vor.u32 v13, v5;
	v11 =	vmin.f32 v22, $4.135166650e+00;
	v14 =	vld [tilespmem:s24+$0x3C00];
	(erf) = vpow2.f32 v17  }
0x8d: {  	v22 =	vmin.f32 v23, $4.135166650e+00;
	v23 =	vsub.f32 v31, v29;
	v10 =	vmul.f32 $1.442695020e+00, v10;
	v17 =	vld.idx.msk [tilespmem:v26+s13+$0x0], $0xffff  }
0x8e: {  	v1 =	vor.u32 v21, v6;
	v51 =	vld [tilespmem:s26+$0x3C80];
	v11 =	vmul.f32 $1.442695020e+00, v11;
	v22 =	vmul.f32 $1.442695020e+00, v22  }
0x8f: {  	v15 =	vld.idx.msk [tilespmem:v15+s13+$0x0], $0xffff;
	v9 =	vmul.f32 v23, v9;
	v27 =	vsub.f32 v47, v7;
	(erf) = vpow2.f32 v10  }
0x90: {  	v19 =	vld.idx.msk [tilespmem:v19+s13+$0x0], $0xffff;
	v20 =	vmin.f32 v20, $4.135166650e+00;
	(erf) = vpow2.f32 v11;
	v11 =	vmul.f32 $5.000000000e-01, v23  }
0x91: {  	v24 =	vld.idx.msk [tilespmem:v24+s13+$0x0], $0xffff;
	s30 =	sor.u32 $0x100, s9;
	v54 =	vmul.f32 $5.000000000e-01, v27;
	v20 =	vmul.f32 $1.442695020e+00, v20;
	v10 =	vsub.f32 v14, v30  }
0x92: {  	s29 =	sor.u32 $0x100, s16;
	s16 =	sor.u32 $0x180, s9;
	v13 =	vld [tilespmem:s30+$0x3C00];
	(erf) = vpow2.f32 v22;
	v11 =	vadd.f32 v11, v29;
	v17 =	vmin.f32 v17, $4.135166650e+00  }
0x93: {  	s1 =	sand.u32 $0x70, s22;
	v48 =	vld [tilespmem:s16+$0x3C00];
	v26 =	vmin.f32 v46, $4.135166650e+00;
	v5 =	vmul.f32 $5.000000000e-01, v10;
	v17 =	vmul.f32 $1.442695020e+00, v17;
	v22 =	vpop (erf)  }
0x94: {  	s1 =	sor.u32 s12, s1;
	v14 =	vld [tilespmem:s29+$0x3C00];
	v12 =	vmul.f32 v10, v12;
	v9 =	vadd.f32 v11, v9;
	v22 =	vmul.f32 v23, v22  }
0x95: {  	s6 =	sor.u32 $0x180, s4;
	v11 =	vmul.f32 $1.442695020e+00, v26;
	v5 =	vadd.f32 v5, v30;
	v23 =	vpop (erf);
	(erf) = vpow2.f32 v17;
	v17 =	vld [tilespmem:s1+$0x3C00]  }
0x96: {  	v21 =	vor.u32 v2, v4;
	v10 =	vmul.f32 v10, v23;
	v23 =	vld [tilespmem:s6+$0x3C00];
	v22 =	vmul.f32 $5.000000000e-01, v22  }
0x97: {  	v30 =	vadd.f32 v54, v7;
	v5 =	vadd.f32 v5, v12;
	v12 =	vld [tilespmem:s7+$0x3C00];
	(erf) = vpow2.f32 v20  }
0x98: {  	v20 =	vld [tilespmem:s1+$0x3C80];
	(erf) = vpow2.f32 v11;
	v10 =	vmul.f32 $5.000000000e-01, v10;
	v11 =	vsub.f32 v9, v22  }
0x99: {  	s9 =	simm.s32 $0x50;
	v26 =	vmul.f32 v27, v19;
	v3 =	vadd.f32 v9, v22;
	v9 =	vsub.f32 v49, v50  }
0x9a: {  	v19 =	vor.u32 s9, v0;
	v6 =	vsub.f32 v5, v10;
	v2 =	vadd.f32 v5, v10  }
0x9b: {  	v16 =	vld.idx.msk [tilespmem:v16+s13+$0x0], $0xffff;
	v56 =	vmul.u32 $0x5556, v19;
	v4 =	vpop (erf);
	v13 =	vsub.f32 v13, v17;
	v5 =	vsub.f32 v23, v51  }
0x9c: {  	v18 =	vld.idx.msk [tilespmem:v18+s13+$0x0], $0xffff;
	v22 =	vmul.f32 $5.000000000e-01, v9;
	v4 =	vmul.f32 v9, v4;
	v14 =	vsub.f32 v14, v12  }
0x9d: {  	v28 =	vsub.f32 v48, v20;
	v9 =	vmul.f32 v9, v15;
	v10 =	vpop (erf);
	v24 =	vmul.f32 v13, v24  }
0x9e: {  	v30 =	vadd.f32 v30, v26;
	v53 =	vmul.f32 $5.000000000e-01, v5;
	v10 =	vmul.f32 v5, v10  }
0x9f: {  	s8 =	simm.s32 $0x70;
	v23 =	vpop (erf);
	v32 =	vmul.f32 $5.000000000e-01, v14;
	v22 =	vadd.f32 v22, v50;
	v7 =	vmul.f32 $5.000000000e-01, v28  }
0xa0: {  	s28 =	simm.s32 $0x40;
	v5 =	vmul.f32 v5, v16;
	v16 =	vor.u32 s8, v0;
	v23 =	vmul.f32 v14, v23  }
0xa1: {  	v33 =	vpop (erf);
	v14 =	vmul.f32 v14, v18;
	v18 =	vor.u32 s28, v0;
	v57 =	vmul.u32 $0x5556, v16  }
0xa2: {  	s20 =	simm.s32 $0x60;
	v32 =	vadd.f32 v32, v12;
	v33 =	vmul.f32 v27, v33;
	v12 =	vmul.f32 $5.000000000e-01, v13;
	v34 =	vpop (erf)  }
0xa3: {  	v25 =	vld.idx.msk [tilespmem:v25+s13+$0x0], $0xffff;
	v22 =	vadd.f32 v22, v9;
	v9 =	vor.u32 s20, v0;
	v34 =	vmul.f32 v13, v34;
	v35 =	vpop (erf)  }
0xa4: {  	v36 =	vadd.f32 v12, v17;
	v15 =	vmul.f32 v28, v35;
	v35 =	vadd.f32 v7, v20  }
0xa5: {  	v7 =	vadd.f32 v53, v51;
	v20 =	vmul.f32 $5.000000000e-01, v4;
	v12 =	vmul.f32 $5.000000000e-01, v10  }
0xa6: {  	v10 =	vmul.f32 $5.000000000e-01, v33;
	v17 =	vmul.u32 $0x5556, v18;
	v14 =	vadd.f32 v32, v14  }
0xa7: {  	v4 =	vmul.f32 $5.000000000e-01, v34;
	v13 =	vadd.f32 v7, v5;
	v7 =	vmul.u32 $0x5556, v9  }
0xa8: {  	v5 =	vmul.f32 $5.000000000e-01, v23;
	v23 =	vmul.f32 v28, v25;
	v28 =	vshrl.u32 v57, $0x10  }
0xa9: {  	v36 =	vadd.f32 v36, v24;
	v38 =	vmul.u32 $0xFFFFFFFD, v28;
	v55 =	vshrl.u32 v7, $0x10  }
0xaa: {  	v7 =	vmul.f32 $5.000000000e-01, v15;
	v15 =	vshrl.u32 v17, $0x10;
	v35 =	vadd.f32 v35, v23  }
0xab: {  	v58 =	vmul.u32 $0xFFFFFFFD, v55;
	v33 =	vand.u32 $0x7F, v55;
	v34 =	vand.u32 $0x7F80, v55  }
0xac: {  	s17 =	simm.s32 $0x2;
	v60 =	vmul.u32 $0xFFFFFFFD, v15;
	v38 =	vadd.s32 v16, v38;
	v16 =	vand.u32 $0x7F, v28  }
0xad: {  	s18 =	simm.s32 $0x100;
	s21 =	sand.u32 $0x3, s17;
	v28 =	vand.u32 $0x7F80, v28;
	v17 =	vor.u32 v33, v34;
	v45 =	vshll.u32 v38, $0xC  }
0xae: {  	s19 =	simm.s32 $0x4;
	s11 =	sand.u32 $0x1E00, s18;
	s4 =	sshll.u32 s21, $0x5;
	v32 =	vadd.s32 v9, v58;
	v9 =	vshrl.u32 v56, $0x10;
	v25 =	vadd.s32 v18, v60  }
0xaf: {  	s3 =	sand.u32 $0x60, s20;
	s22 =	sand.u32 $0x7, s19;
	s4 =	sadd.s32 $0x100, s4;
	v54 =	vadd.s32 v28, v45;
	v59 =	vshll.u32 v32, $0xC;
	v61 =	vmul.u32 $0xFFFFFFFD, v9  }
0xb0: {  	s3 =	sor.u32 s11, s3;
	p0 =	por !p0, !p0;
	s4 =	sadd.s32 $0x20, s4;
	v8 =	vld.idx.msk [tilespmem:v8+s2+$0x0], $0xffff;
	v18 =	vand.u32 $0x7F, v9;
	v41 =	vand.u32 $0x7F80, v9;
	v9 =	vshll.u32 v25, $0xC  }
0xb1: {  	s10 =	sor.u32 $0x100, s4;
	s12 =	sor.u32 $0x180, s4;
	s15 =	sand.u32 $0x40, s28;
	v1 =	vld.idx.msk [tilespmem:v1+s2+$0x0], $0xffff;
	v24 =	vor.u32 v16, v54;
	v54 =	vsub.f32 v13, v12;
	v37 =	vadd.s32 v59, v17  }
0xb2: {  	s4 =	sshll.u32 s22, $0x4;
	s22 =	simm.s32 $0x1;
	s28 =	sor.u32 s15, s11;
	v60 =	vld [tilespmem:s3+$0x3C00];
	v17 =	vand.u32 $0x7F, v15;
	v29 =	vadd.s32 v19, v61;
	v19 =	vand.u32 $0x7F80, v15  }
0xb3: {  	s22 =	simm.s32 @!p0 $0x0;
	v12 =	vadd.f32 v13, v12;
	v13 =	vld [tilespmem:s28+$0x3C80];
	v39 =	vadd.s32 $0x800, v37;
	v15 =	vor.u32 v17, v19  }
0xb4: {  	s31 =	sshll.u32 s22, $0x6;
	v47 =	vor.u32 v16, v28;
	v40 =	vadd.s32 $0xC00, v37;
	v44 =	vadd.s32 v9, v15;
	v15 =	vld.idx.msk [tilespmem:v21+s2+$0x0], $0xffff;
	[tilespmem:s5+$0x6C00] =	vst v11  }
0xb5: {  	s14 =	sadd.s32 $0x100, s31;
	v43 =	vor.u32 v18, v41;
	v61 =	vld [tilespmem:s3+$0x3C80];
	v42 =	vshll.u32 v29, $0xC;
	[tilespmem:s5+$0x6C80] =	vst v6;
	v46 =	vadd.s32 $0x800, v44  }
0xb6: {  	v49 =	vadd.s32 v19, v9;
	v43 =	vadd.s32 v42, v43;
	v9 =	vld.idx.msk [tilespmem:v52+s2+$0x0], $0xffff;
	v48 =	vadd.s32 $0xC00, v44;
	[tilespmem:s23+$0x6C00] =	vst v3;
	s23 =	sor.u32 $0x100, s14  }
0xb7: {  	v51 =	vshll.u32 v38, $0xA;
	v47 =	vadd.s32 v45, v47;
	v50 =	vadd.s32 $0x800, v43;
	[tilespmem:s24+$0x6C00] =	vst v2;
	v2 =	vld [tilespmem:s23+$0x3C00]  }
0xb8: {  	v25 =	vshll.u32 v25, $0xA;
	v56 =	vadd.s32 $0x800, v47;
	v31 =	vadd.s32 $0xC00, v43;
	v39 =	vld.idx.msk [tilespmem:v39+s13+$0x0], $0xffff  }
0xb9: {  	v58 =	vadd.s32 $0xC00, v47;
	v32 =	vshll.u32 v32, $0xA;
	v27 =	vadd.s32 v34, v59;
	v40 =	vld.idx.msk [tilespmem:v40+s13+$0x0], $0xffff  }
0xba: {  	v23 =	vadd.s32 $0x400, v47;
	v32 =	vadd.s32 v34, v32;
	v59 =	vor.u32 v33, v27;
	v63 =	vld.idx.msk [tilespmem:v46+s13+$0x0], $0xffff  }
0xbb: {  	v37 =	vadd.s32 $0x400, v37;
	[tilespmem:s26+$0x6C80] =	vst v54;
	v54 =	vsub.f32 v35, v7;
	v19 =	vadd.s32 v19, v25;
	v55 =	vld.idx.msk [tilespmem:v48+s13+$0x0], $0xffff  }
0xbc: {  	v25 =	vadd.s32 v28, v51;
	v42 =	vadd.s32 v41, v42;
	v21 =	vshll.u32 v29, $0xA;
	v57 =	vld.idx.msk [tilespmem:v50+s13+$0x0], $0xffff  }
0xbd: {  	v29 =	vor.u32 v17, v49;
	v25 =	vor.u32 v16, v25;
	v31 =	vld.idx.msk [tilespmem:v31+s13+$0x0], $0xffff;
	v62 =	vmin.f32 v39, $4.135166650e+00  }
0xbe: {  	v21 =	vadd.s32 v41, v21;
	v46 =	vld.idx.msk [tilespmem:v56+s13+$0x0], $0xffff;
	v52 =	vmin.f32 v40, $4.135166650e+00;
	v53 =	vmul.f32 $1.442695020e+00, v62  }
0xbf: {  	v28 =	vadd.s32 $0x400, v44;
	v26 =	vor.u32 v18, v42;
	v40 =	vld.idx.msk [tilespmem:v58+s13+$0x0], $0xffff;
	v38 =	vmul.f32 $1.442695020e+00, v52  }
0xc0: {  	v27 =	vadd.s32 $0x400, v43;
	v56 =	vor.u32 v33, v32;
	v62 =	vld [tilespmem:s10+$0x3C00];
	(erf) = vpow2.f32 v53  }
0xc1: {  	v39 =	vmin.f32 v63, $4.135166650e+00;
	v63 =	vld [tilespmem:s12+$0x3C00];
	v53 =	vsub.f32 v22, v20;
	(erf) = vpow2.f32 v38  }
0xc2: {  	s24 =	sor.u32 $0x180, s14;
	v52 =	vld.idx.msk [tilespmem:v59+s13+$0x0], $0xffff;
	v45 =	vmin.f32 v55, $4.135166650e+00;
	v20 =	vadd.f32 v22, v20;
	v39 =	vmul.f32 $1.442695020e+00, v39  }
0xc3: {  	s4 =	sadd.s32 $0x100, s4;
	v51 =	vmin.f32 v57, $4.135166650e+00;
	v41 =	vmul.f32 $1.442695020e+00, v45;
	v45 =	vmin.f32 v46, $4.135166650e+00;
	v46 =	vld [tilespmem:s24+$0x3C00];
	[tilespmem:s26+$0x6C00] =	vst v53  }
0xc4: {  	s21 =	sadd.s32 $0x10, s4;
	v22 =	vmin.f32 v31, $4.135166650e+00;
	v44 =	vmul.f32 $1.442695020e+00, v51;
	(erf) = vpow2.f32 v39;
	[tilespmem:s25+$0x6C00] =	vst v20;
	v20 =	vld [tilespmem:s28+$0x3C00]  }
0xc5: {  	s20 =	sor.u32 $0x100, s21;
	s21 =	sor.u32 $0x180, s21;
	v37 =	vld.idx.msk [tilespmem:v37+s13+$0x0], $0xffff;
	v22 =	vmul.f32 $1.442695020e+00, v22;
	v42 =	vsub.f32 v62, v60;
	(erf) = vpow2.f32 v41  }
0xc6: {  	v11 =	vld [tilespmem:s21+$0x3C00];
	v34 =	vmul.f32 $1.442695020e+00, v45;
	v43 =	vsub.f32 v63, v61;
	(erf) = vpow2.f32 v44  }
0xc7: {  	s4 =	sadd.s32 $0x30, s4;
	v23 =	vld.idx.msk [tilespmem:v23+s13+$0x0], $0xffff;
	v48 =	vmin.f32 v40, $4.135166650e+00;
	v55 =	vmul.f32 $5.000000000e-01, v42;
	v59 =	vmul.f32 v42, v52  }
0xc8: {  	s31 =	sor.u32 $0x180, s4;
	s25 =	sand.u32 $0x50, s9;
	v44 =	vld [tilespmem:s20+$0x3C00];
	v52 =	vsub.f32 v30, v10;
	v16 =	vsub.f32 v46, v13;
	v57 =	vmul.f32 $5.000000000e-01, v43  }
0xc9: {  	s25 =	sor.u32 s11, s25;
	v63 =	vld [tilespmem:s31+$0x3C00];
	v6 =	vadd.f32 v55, v60;
	v55 =	vor.u32 v18, v21;
	v2 =	vsub.f32 v2, v20;
	v58 =	vpop (erf)  }
0xca: {  	s26 =	sand.u32 $0x70, s8;
	v51 =	vld [tilespmem:s25+$0x3C00];
	v3 =	vadd.f32 v57, v61;
	v61 =	vmul.f32 v43, v37;
	v33 =	vmul.f32 v42, v58;
	v60 =	vpop (erf)  }
0xcb: {  	[tilespmem:s1+$0x6C80] =	vst v54;
	s26 =	sor.u32 s11, s26;
	v53 =	vld [tilespmem:s25+$0x3C80];
	v6 =	vadd.f32 v6, v59;
	v37 =	vmul.f32 $1.442695020e+00, v48;
	v62 =	vmul.f32 v43, v60  }
0xcc: {  	[tilespmem:s6+$0x6C00] =	vst v12;
	v18 =	vld [tilespmem:s26+$0x3C80];
	(erf) = vpow2.f32 v22;
	v22 =	vsub.f32 v14, v5;
	v33 =	vmul.f32 $5.000000000e-01, v33  }
0xcd: {  	v29 =	vld.idx.msk [tilespmem:v29+s13+$0x0], $0xffff;
	[tilespmem:s7+$0x6C80] =	vst v52;
	v5 =	vadd.f32 v14, v5;
	v3 =	vadd.f32 v3, v61;
	v47 =	vmul.f32 $5.000000000e-01, v62  }
0xce: {  	v31 =	vld.idx.msk [tilespmem:v56+s2+$0x0], $0xffff;
	v57 =	vmul.f32 $5.000000000e-01, v16;
	v12 =	vmul.f32 $5.000000000e-01, v2;
	[tilespmem:s7+$0x6C00] =	vst v22;
	v49 =	vsub.f32 v6, v33  }
0xcf: {  	v56 =	vsub.f32 v44, v51;
	(erf) = vpow2.f32 v34;
	v22 =	vld.idx.msk [tilespmem:v28+s13+$0x0], $0xffff;
	[tilespmem:s29+$0x6C00] =	vst v5;
	v50 =	vsub.f32 v3, v47  }
0xd0: {  	s22 =	sor.u32 $0x100, s4;
	v58 =	vsub.f32 v11, v53;
	(erf) = vpow2.f32 v37;
	v5 =	vld.idx.msk [tilespmem:v26+s13+$0x0], $0xffff;
	v6 =	vadd.f32 v6, v33;
	[tilespmem:s3+$0x6C00] =	vst v49  }
0xd1: {  	v38 =	vld [tilespmem:s22+$0x3C00];
	v11 =	vmul.f32 $5.000000000e-01, v56;
	v60 =	vadd.f32 v12, v20;
	v61 =	vsub.f32 v63, v18;
	[tilespmem:s3+$0x6C80] =	vst v50  }
0xd2: {  	v12 =	vmul.f32 $5.000000000e-01, v58;
	s29 =	simm.s32 $0x0;
	v3 =	vadd.f32 v3, v47;
	[tilespmem:s10+$0x6C00] =	vst v6;
	v6 =	vadd.f32 v30, v10;
	v10 =	vld [tilespmem:s26+$0x3C00]  }
0xd3: {  	v14 =	vadd.f32 v35, v7;
	v62 =	vmul.f32 $5.000000000e-01, v61;
	[tilespmem:s29+$0x9C00] =	vst v8;
	v8 =	vmul.f32 v2, v29  }
0xd4: {  	[tilespmem:s12+$0x6C00] =	vst v3;
	v3 =	vor.u32 v17, v19;
	v17 =	vsub.f32 v36, v4;
	v36 =	vadd.f32 v36, v4;
	v4 =	vpop (erf)  }
0xd5: {  	v24 =	vld.idx.msk [tilespmem:v24+s13+$0x0], $0xffff;
	v28 =	vadd.f32 v57, v13;
	v63 =	vmul.f32 v16, v22;
	v22 =	vmul.f32 v56, v5;
	v7 =	vpop (erf)  }
0xd6: {  	[tilespmem:s29+$0x9C20] =	vst v15;
	v15 =	vld.idx.msk [tilespmem:v27+s13+$0x0], $0xffff;
	v4 =	vmul.f32 v2, v4;
	v19 =	vpop (erf);
	v7 =	vmul.f32 v16, v7  }
0xd7: {  	[tilespmem:s1+$0x6C00] =	vst v17;
	v17 =	vmul.f32 v61, v23;
	v59 =	vmul.f32 v56, v19;
	v20 =	vpop (erf);
	v38 =	vsub.f32 v38, v10  }
0xd8: {  	s5 =	simm.s32 $0x40;
	v12 =	vadd.f32 v12, v53;
	[tilespmem:s0+$0x6C00] =	vst v6;
	v13 =	vmul.f32 $5.000000000e-01, v4;
	v6 =	vmul.f32 v58, v20  }
0xd9: {  	[tilespmem:s5+$0x9C20] =	vst v31;
	v2 =	vld.idx.msk [tilespmem:v55+s2+$0x0], $0xffff;
	v19 =	vadd.f32 v11, v51;
	v20 =	vpop (erf);
	v5 =	vmul.f32 $5.000000000e-01, v7;
	v11 =	vmul.f32 $5.000000000e-01, v38  }
0xda: {  	[tilespmem:s29+$0x9C10] =	vst v9;
	v9 =	vld.idx.msk [tilespmem:v25+s2+$0x0], $0xffff;
	v7 =	vadd.f32 v28, v63;
	v4 =	vmul.f32 $5.000000000e-01, v59;
	v21 =	vmul.f32 v38, v20;
	v20 =	vpop (erf)  }
0xdb: {  	[tilespmem:s30+$0x6C00] =	vst v36;
	v16 =	vmul.f32 v38, v24;
	v20 =	vmul.f32 v61, v20;
	v10 =	vadd.f32 v11, v10  }
0xdc: {  	s0 =	simm.s32 $0x4;
	s30 =	simm.s32 $0xB0;
	v3 =	vld.idx.msk [tilespmem:v3+s2+$0x0], $0xffff;
	v11 =	vadd.f32 v62, v18;
	v18 =	vmul.f32 v58, v15;
	v15 =	vadd.f32 v60, v8  }
.LBB2_2:
0xdd: {  	s3 =	sadd.s32 $0xFFFFFFD0, s30;
	s4 =	sadd.s32 $0xFFFFFFE0, s30;
	s1 =	sadd.s32 $0xFFFFFFF0, s30;
	v23 =	vor.u32 s30, v0;
	v8 =	vmul.f32 $5.000000000e-01, v6;
	v6 =	vmul.f32 $5.000000000e-01, v21;
	[tilespmem:s16+$0x6C00] =	vst v14  }
0xde: {  	s9 =	sand.u32 $0x70, s30;
	v21 =	vor.u32 s3, v0;
	s11 =	sand.u32 $0x40, s3;
	v24 =	vor.u32 s4, v0;
	s6 =	sand.u32 $0x50, s4;
	v25 =	vor.u32 s1, v0;
	[tilespmem:s29+$0x9C30] =	vst v1  }
0xdf: {  	s16 =	smov.u32 s31;
	v1 =	vmovc v9;
	s29 =	smov.u32 s5;
	v26 =	vmul.u32 $0x5556, v21;
	v27 =	vmul.u32 $0x5556, v24;
	v28 =	vmul.u32 $0x5556, v25  }
0xe0: {  	v14 =	vadd.f32 v19, v22;
	v29 =	vmul.u32 $0x5556, v23;
	v9 =	vmul.f32 $5.000000000e-01, v20  }
0xe1: {  	s0 =	sadd.s32 $0x4, s0;
	v19 =	vshrl.u32 v26, $0x10;
	v20 =	vshrl.u32 v27, $0x10;
	v22 =	vshrl.u32 v28, $0x10  }
0xe2: {  	p1 =	slt.u32 s0, $0x5C;
	v31 =	vshrl.u32 v29, $0x10;
	v26 =	vmul.u32 $0xFFFFFFFD, v19;
	v27 =	vmul.u32 $0xFFFFFFFD, v22  }
0xe3: {  	v34 =	vmul.u32 $0xFFFFFFFD, v31;
	v32 =	vand.u32 $0x7F, v19;
	v33 =	vmul.u32 $0xFFFFFFFD, v20  }
0xe4: {  	v28 =	vand.u32 $0x7F, v22;
	v29 =	vand.u32 $0x7F80, v22;
	v30 =	vadd.s32 v25, v27  }
0xe5: {  	v25 =	vadd.s32 v21, v26;
	v21 =	vor.u32 v28, v29;
	v26 =	vshll.u32 v30, $0xC  }
0xe6: {  	v34 =	vadd.s32 v23, v34;
	v27 =	vadd.s32 v24, v33;
	v33 =	vadd.s32 v26, v21  }
0xe7: {  	v35 =	vand.u32 $0x7F80, v19;
	v36 =	vand.u32 $0x7F, v20;
	v19 =	vadd.s32 $0x800, v33  }
0xe8: {  	v38 =	vand.u32 $0x7F, v31;
	v37 =	vand.u32 $0x7F80, v20;
	v20 =	vadd.s32 $0xC00, v33  }
0xe9: {  	v31 =	vand.u32 $0x7F80, v31;
	v22 =	vshll.u32 v27, $0xC;
	v21 =	vshll.u32 v25, $0xC  }
0xea: {  	v23 =	vor.u32 v32, v35;
	v24 =	vor.u32 v36, v37;
	v39 =	vshll.u32 v34, $0xC  }
0xeb: {  	v40 =	vadd.s32 v22, v24;
	v24 =	vor.u32 v38, v31;
	v23 =	vadd.s32 v21, v23  }
0xec: {  	v44 =	vadd.s32 v39, v24;
	v41 =	vadd.s32 $0x800, v23;
	v42 =	vadd.s32 $0xC00, v23;
	v43 =	vld.idx.msk [tilespmem:v19+s13+$0x0], $0xffff  }
0xed: {  	v45 =	vadd.s32 $0x800, v40;
	v46 =	vadd.s32 $0xC00, v40;
	v48 =	vadd.s32 $0x800, v44;
	v47 =	vld.idx.msk [tilespmem:v20+s13+$0x0], $0xffff  }
0xee: {  	p0 =	por !p0, !p0;
	s3 =	simm.s32 $0x1;
	v49 =	vadd.s32 $0xC00, v44;
	v19 =	vadd.s32 v35, v21;
	v20 =	vadd.s32 v37, v22  }
0xef: {  	s19 =	sadd.s32 $0x4, s19;
	s3 =	simm.s32 @!p0 $0x0;
	v23 =	vadd.s32 $0x400, v23;
	v24 =	vor.u32 v32, v19;
	v19 =	vadd.s32 v31, v39  }
0xf0: {  	s17 =	sadd.s32 $0x2, s17;
	s4 =	sand.u32 $0x7, s19;
	s3 =	sshll.u32 s3, $0x6;
	v21 =	vadd.s32 $0x400, v40;
	v22 =	vor.u32 v36, v20;
	v19 =	vor.u32 v38, v19  }
0xf1: {  	s18 =	sadd.s32 $0x100, s18;
	s5 =	sand.u32 $0x3, s17;
	s4 =	sshll.u32 s4, $0x4;
	v27 =	vshll.u32 v27, $0xA;
	v25 =	vshll.u32 v25, $0xA;
	v20 =	vadd.s32 $0x400, v44;
	v39 =	vld.idx.msk [tilespmem:v41+s13+$0x0], $0xffff  }
0xf2: {  	s15 =	sand.u32 $0x1E00, s18;
	s1 =	sand.u32 $0x60, s1;
	s5 =	sshll.u32 s5, $0x5;
	v34 =	vshll.u32 v34, $0xA;
	v25 =	vadd.s32 v35, v25;
	v35 =	vmin.f32 v43, $4.135166650e+00;
	v40 =	vld.idx.msk [tilespmem:v42+s13+$0x0], $0xffff  }
0xf3: {  	s7 =	sadd.s32 s18, s5;
	s4 =	sadd.s32 s4, s18;
	s5 =	sor.u32 s15, s1;
	v26 =	vadd.s32 v29, v26;
	v42 =	vmin.f32 v47, $4.135166650e+00;
	v35 =	vmul.f32 $1.442695020e+00, v35;
	v41 =	vld.idx.msk [tilespmem:v45+s13+$0x0], $0xffff  }
0xf4: {  	s1 =	sadd.s32 $0x10, s4;
	s12 =	sadd.s32 $0x20, s7;
	s4 =	sadd.s32 $0x30, s4;
	v37 =	vadd.s32 v37, v27;
	v43 =	vor.u32 v28, v26;
	v26 =	vmul.f32 $1.442695020e+00, v42;
	v44 =	vld [tilespmem:s5+$0x3C00]  }
0xf5: {  	s31 =	sadd.s32 s3, s18;
	s7 =	sor.u32 $0x100, s1;
	s10 =	sor.u32 $0x100, s12;
	v33 =	vadd.s32 $0x400, v33;
	v31 =	vadd.s32 v31, v34;
	v42 =	vld [tilespmem:s5+$0x3C80];
	(erf) = vpow2.f32 v35  }
0xf6: {  	s8 =	sor.u32 $0x180, s1;
	s3 =	sor.u32 $0x180, s12;
	s1 =	sor.u32 $0x100, s4;
	v27 =	vor.u32 v32, v25;
	v25 =	vor.u32 v36, v37;
	v32 =	vld [tilespmem:s10+$0x3C00];
	(erf) = vpow2.f32 v26  }
0xf7: {  	v12 =	vadd.f32 v12, v18;
	s14 =	sor.u32 $0x100, s31;
	s12 =	sor.u32 $0x180, s31;
	s31 =	sor.u32 $0x180, s4;
	v34 =	vmin.f32 v39, $4.135166650e+00;
	v26 =	vor.u32 v38, v31;
	v35 =	vld [tilespmem:s3+$0x3C00]  }
0xf8: {  	v10 =	vadd.f32 v10, v16;
	s4 =	sor.u32 s11, s15;
	s11 =	sor.u32 s15, s6;
	s6 =	sor.u32 s15, s9;
	v18 =	vmin.f32 v40, $4.135166650e+00;
	v31 =	vmul.f32 $1.442695020e+00, v34;
	v34 =	vld.idx.msk [tilespmem:v46+s13+$0x0], $0xffff  }
0xf9: {  	v11 =	vadd.f32 v11, v17;
	v16 =	vmul.f32 $1.442695020e+00, v18;
	v18 =	vmin.f32 v41, $4.135166650e+00;
	v36 =	vld.idx.msk [tilespmem:v43+s13+$0x0], $0xffff  }
0xfa: {  	v17 =	vmul.f32 $1.442695020e+00, v18;
	v18 =	vld.idx.msk [tilespmem:v33+s13+$0x0], $0xffff;
	(erf) = vpow2.f32 v31;
	v31 =	vsub.f32 v15, v13  }
0xfb: {  	v32 =	vsub.f32 v32, v44;
	v33 =	vld.idx.msk [tilespmem:v48+s13+$0x0], $0xffff;
	(erf) = vpow2.f32 v16;
	v16 =	vsub.f32 v7, v5  }
0xfc: {  	v30 =	vshll.u32 v30, $0xA;
	v35 =	vsub.f32 v35, v42;
	v37 =	vld.idx.msk [tilespmem:v49+s13+$0x0], $0xffff;
	(erf) = vpow2.f32 v17;
	[tilespmem:s28+$0x6C00] =	vst v31  }
0xfd: {  	v29 =	vadd.s32 v29, v30;
	v13 =	vadd.f32 v15, v13;
	v17 =	vld [tilespmem:s7+$0x3C00];
	v30 =	vmul.f32 $5.000000000e-01, v32;
	[tilespmem:s28+$0x6C80] =	vst v16;
	s28 =	smov.u32 s4  }
0xfe: {  	v28 =	vor.u32 v28, v29;
	v16 =	vmin.f32 v34, $4.135166650e+00;
	v15 =	vld [tilespmem:s8+$0x3C00];
	v29 =	vmul.f32 $5.000000000e-01, v35;
	v31 =	vpop (erf)  }
0xff: {  	v34 =	vmul.f32 v32, v36;
	v30 =	vadd.f32 v30, v44;
	v31 =	vmul.f32 v32, v31;
	v32 =	vld [tilespmem:s1+$0x3C00];
	v36 =	vpop (erf);
	[tilespmem:s23+$0x6C00] =	vst v13;
	s23 =	smov.u32 s14  }
0x100: {  	v18 =	vmul.f32 v35, v18;
	v13 =	vadd.f32 v29, v42;
	v29 =	vmul.f32 v35, v36;
	v35 =	vld [tilespmem:s31+$0x3C00]  }
0x101: {  	v33 =	vmin.f32 v33, $4.135166650e+00;
	v36 =	vld [tilespmem:s23+$0x3C00];
	v30 =	vadd.f32 v30, v34;
	v31 =	vmul.f32 $5.000000000e-01, v31  }
0x102: {  	v34 =	vld [tilespmem:s12+$0x3C00];
	v13 =	vadd.f32 v13, v18;
	v18 =	vmul.f32 $5.000000000e-01, v29;
	v29 =	vmin.f32 v37, $4.135166650e+00  }
0x103: {  	v16 =	vmul.f32 $1.442695020e+00, v16;
	v33 =	vmul.f32 $1.442695020e+00, v33;
	v28 =	vld.idx.msk [tilespmem:v28+s2+$0x0], $0xffff;
	v37 =	vsub.f32 v30, v31;
	v38 =	vpop (erf)  }
0x104: {  	v5 =	vadd.f32 v7, v5;
	v29 =	vmul.f32 $1.442695020e+00, v29;
	v39 =	vld [tilespmem:s28+$0x3C00];
	v40 =	vsub.f32 v13, v18;
	v41 =	vpop (erf)  }
0x105: {  	v30 =	vadd.f32 v30, v31;
	v7 =	vld [tilespmem:s28+$0x3C80];
	[tilespmem:s5+$0x6C00] =	vst v37;
	v31 =	vpop (erf);
	(erf) = vpow2.f32 v16;
	v16 =	vsub.f32 v14, v4  }
0x106: {  	v13 =	vadd.f32 v13, v18;
	v18 =	vsub.f32 v12, v8;
	v37 =	vld [tilespmem:s11+$0x3C00];
	[tilespmem:s5+$0x6C80] =	vst v40;
	(erf) = vpow2.f32 v33  }
0x107: {  	v8 =	vadd.f32 v12, v8;
	v4 =	vadd.f32 v14, v4;
	v33 =	vld [tilespmem:s11+$0x3C80];
	[tilespmem:s10+$0x6C00] =	vst v30;
	(erf) = vpow2.f32 v29  }
0x108: {  	s5 =	sshra.s32 s18, $0x2;
	v29 =	vsub.f32 v10, v6;
	v30 =	vsub.f32 v11, v9;
	[tilespmem:s3+$0x6C00] =	vst v13;
	v13 =	vld [tilespmem:s6+$0x3C00]  }
0x109: {  	v40 =	vadd.f32 v10, v6;
	v36 =	vsub.f32 v36, v39;
	[tilespmem:s5+$0x9C20] =	vst v28;
	v28 =	vld [tilespmem:s6+$0x3C80]  }
0x10a: {  	v14 =	vadd.f32 v11, v9;
	v10 =	vld.idx.msk [tilespmem:v24+s13+$0x0], $0xffff;
	v24 =	vsub.f32 v34, v7;
	[tilespmem:s24+$0x6C00] =	vst v5;
	s24 =	smov.u32 s12  }
0x10b: {  	v5 =	vld.idx.msk [tilespmem:v23+s13+$0x0], $0xffff;
	v42 =	vmul.f32 $5.000000000e-01, v36;
	v23 =	vmul.f32 v36, v38;
	v9 =	vsub.f32 v17, v37;
	[tilespmem:s29+$0x9C00] =	vst v3  }
0x10c: {  	v17 =	vmul.f32 $5.000000000e-01, v24;
	v34 =	vmul.f32 v24, v41;
	v11 =	vld.idx.msk [tilespmem:v22+s13+$0x0], $0xffff;
	v15 =	vsub.f32 v15, v33;
	[tilespmem:s25+$0x6C00] =	vst v16  }
0x10d: {  	v16 =	vld.idx.msk [tilespmem:v21+s13+$0x0], $0xffff;
	v3 =	vmul.f32 $5.000000000e-01, v9;
	v31 =	vmul.f32 v9, v31;
	v32 =	vsub.f32 v32, v13;
	[tilespmem:s25+$0x6C80] =	vst v18;
	s25 =	smov.u32 s11  }
0x10e: {  	v38 =	vadd.f32 v42, v39;
	v12 =	vmul.f32 $5.000000000e-01, v15;
	v39 =	vld.idx.msk [tilespmem:v19+s13+$0x0], $0xffff;
	v35 =	vsub.f32 v35, v28;
	v6 =	vpop (erf);
	[tilespmem:s20+$0x6C00] =	vst v4;
	s20 =	smov.u32 s7  }
0x10f: {  	v19 =	vadd.f32 v3, v37;
	v6 =	vmul.f32 v15, v6;
	v37 =	vld.idx.msk [tilespmem:v20+s13+$0x0], $0xffff;
	v4 =	vmul.f32 $5.000000000e-01, v32;
	v18 =	vpop (erf);
	[tilespmem:s21+$0x6C00] =	vst v8;
	s21 =	smov.u32 s8  }
0x110: {  	v3 =	vld.idx.msk [tilespmem:v27+s2+$0x0], $0xffff;
	v12 =	vadd.f32 v12, v33;
	v8 =	vmul.f32 $5.000000000e-01, v35;
	v21 =	vmul.f32 v32, v18;
	v18 =	vpop (erf);
	[tilespmem:s29+$0x9C10] =	vst v2  }
.Ltmp0:
0x111: {  	v27 =	vmul.f32 v36, v10;
	v2 =	vld.idx.msk [tilespmem:v25+s2+$0x0], $0xffff;
	v10 =	vadd.f32 v4, v13;
	v20 =	vmul.f32 v35, v18;
	(pc) =	sbr.rel @p1 .LBB2_2-.Ltmp0, $4  }
0x112: {  	v4 =	vmul.f32 v24, v5;
	v22 =	vmul.f32 v9, v11;
	v9 =	vld.idx.msk [tilespmem:v26+s2+$0x0], $0xffff;
	v11 =	vadd.f32 v8, v28  }
0x113: {  	v7 =	vadd.f32 v17, v7;
	v13 =	vmul.f32 $5.000000000e-01, v23;
	v18 =	vmul.f32 v15, v16;
	[tilespmem:s26+$0x6C00] =	vst v29  }
0x114: {  	v5 =	vmul.f32 $5.000000000e-01, v34;
	v15 =	vadd.f32 v38, v27;
	v16 =	vmul.f32 v32, v39;
	[tilespmem:s26+$0x6C80] =	vst v30;
	s26 =	smov.u32 s6  }
0x115: {  	s30 =	sadd.s32 $0x40, s30;
	v7 =	vadd.f32 v7, v4;
	v4 =	vmul.f32 $5.000000000e-01, v31;
	v17 =	vmul.f32 v35, v37;
	[tilespmem:s22+$0x6C00] =	vst v40;
	s22 =	smov.u32 s1  }
0x116: {  	[tilespmem:s16+$0x6C00] =	vst v14;
	v8 =	vsub.f32 v15, v13  }
0x117: {  	[tilespmem:s29+$0x9C30] =	vst v1;
	v1 =	vsub.f32 v7, v5  }
0x118: {  	[tilespmem:s28+$0x6C00] =	vst v8;
	v8 =	vadd.f32 v15, v13  }
0x119: {  	v13 =	vadd.f32 v19, v22;
	[tilespmem:s28+$0x6C80] =	vst v1;
	v1 =	vadd.f32 v7, v5  }
0x11a: {  	v5 =	vmul.f32 $5.000000000e-01, v6;
	v6 =	vadd.f32 v12, v18;
	[tilespmem:s23+$0x6C00] =	vst v8  }
0x11b: {  	v7 =	vsub.f32 v13, v4;
	[tilespmem:s24+$0x6C00] =	vst v1  }
0x11c: {  	v1 =	vsub.f32 v6, v5;
	[tilespmem:s5+$0x9C00] =	vst v3  }
0x11d: {  	v3 =	vadd.f32 v13, v4;
	[tilespmem:s25+$0x6C00] =	vst v7  }
0x11e: {  	v5 =	vadd.f32 v6, v5;
	v4 =	vmul.f32 $5.000000000e-01, v21;
	v7 =	vadd.f32 v10, v16;
	[tilespmem:s25+$0x6C80] =	vst v1  }
0x11f: {  	v6 =	vadd.f32 v11, v17;
	v1 =	vmul.f32 $5.000000000e-01, v20;
	[tilespmem:s20+$0x6C00] =	vst v3  }
0x120: {  	v3 =	vsub.f32 v7, v4;
	[tilespmem:s21+$0x6C00] =	vst v5  }
0x121: {  	v5 =	vsub.f32 v6, v1;
	[tilespmem:s5+$0x9C10] =	vst v2  }
0x122: {  	v2 =	vadd.f32 v7, v4;
	[tilespmem:s26+$0x6C00] =	vst v3  }
0x123: {  	v1 =	vadd.f32 v6, v1;
	[tilespmem:s26+$0x6C80] =	vst v5  }
0x124: {  	[tilespmem:s22+$0x6C00] =	vst v2  }
0x125: {  	[tilespmem:s31+$0x6C00] =	vst v1  }
0x126: {  	s3 =	simm.s32 $0x0;
	[tilespmem:s5+$0x9C30] =	vst v9  }
0x127: {  	s1 =	simm.s32 $0x6C00;
	s10 =	simm.s32 $0x9C00;
	s0 =	rddreg [dreg:$0xc]  }
0x128: {  	[hbm4b:s0+s3] =	stream.linear.scatter [tilespmem:s1], [sflag:$0x1], $0x1800, $0x38;
	[tilespmem:$0xA800] =	vst v63  }
0x129: {  	s11 =	simm.s32 $0x1;
	s12 =	simm.s32 $0x620;
	s9 =	rddreg [dreg:$0xd]  }
0x12a: {  	[hbm4b:s9+s3] =	stream.linear.scatter [tilespmem:s10], [sflag:$0x1], $0x600, $0x38;
	[tilespmem:$0xA800] =	vst v63  }
0x12b: {  	s4 =	simm.s32 $0x610;
	v8 =	vor.u32 s12, v0;
	_ =	swait.ge [sflag:s11], $0x600  }
0x12c: {  	s6 =	simm.s32 $0x600;
	v14 =	vmul.u32 $0x5556, v8;
	v2 =	vor.u32 s4, v0;
	[sflag:s11] =	ssyncset.done $0x0  }
0x12d: {  	p0 =	por $0x0, $0x0;
	v1 =	vor.u32 s6, v0;
	v4 =	vmul.u32 $0x5556, v2;
	[sflag:s11] =	ssyncadd.s32 $0xFFFFFA00  }
0x12e: {  	s14 =	simm.s32 $0x630;
	s7 =	sand.u32 $0x3, s3;
	v14 =	vshrl.u32 v14, $0x10;
	v3 =	vmul.u32 $0x5556, v1;
	_ =	swait.ge [sflag:s11], $0x1800  }
0x12f: {  	s8 =	simm.s32 $0x1;
	s7 =	sshll.u32 s7, $0x5;
	v15 =	vor.u32 s14, v0;
	v21 =	vmul.u32 $0xFFFFFFFD, v14;
	v4 =	vshrl.u32 v4, $0x10;
	[sflag:s11] =	ssyncset.done $0x0  }
0x130: {  	s7 =	sadd.s32 $0x1800, s7;
	v22 =	vand.u32 $0x7F, v14;
	s21 =	simm.s32 $0x1800;
	v3 =	vshrl.u32 v3, $0x10;
	v6 =	vmul.u32 $0xFFFFFFFD, v4;
	[sflag:s11] =	ssyncadd.s32 $0xFFFFE800  }
0x131: {  	s15 =	sand.u32 $0x3E00, s21;
	s22 =	sadd.s32 $0x20, s7;
	v9 =	vand.u32 $0x7F, v4;
	v10 =	vand.u32 $0x7F80, v4;
	v5 =	vmul.u32 $0xFFFFFFFD, v3;
	_ =	swait.ge [sflag:s11], $0x1800  }
0x132: {  	v14 =	vand.u32 $0x7F80, v14;
	s5 =	sand.u32 $0x60, s12;
	v7 =	vor.u32 v9, v10;
	v6 =	vadd.s32 v2, v6;
	s3 =	sand.u32 $0x7, s3;
	[sflag:s11] =	ssyncset.done $0x0  }
0x133: {  	s16 =	sor.u32 s15, s5;
	v1 =	vadd.s32 v1, v5;
	v4 =	vshll.u32 v6, $0xC;
	v5 =	vand.u32 $0x7F80, v3;
	s3 =	sshll.u32 s3, $0x4;
	[sflag:s11] =	ssyncadd.s32 $0xFFFFE800  }
0x134: {  	s4 =	sand.u32 $0x50, s4;
	s17 =	sor.u32 $0x180, s22;
	v11 =	vadd.s32 v10, v4;
	v12 =	vadd.s32 v4, v7;
	v4 =	vand.u32 $0x7F, v3;
	s3 =	sadd.s32 $0x1800, s3;
	v3 =	vld [tilespmem:s16+$0x3C80]  }
0x135: {  	s8 =	simm.s32 @!p0 $0x0;
	v8 =	vadd.s32 v8, v21;
	s24 =	sor.u32 s15, s4;
	v2 =	vshll.u32 v1, $0xC;
	v1 =	vshll.u32 v1, $0xA;
	s25 =	sadd.s32 $0x10, s3;
	v16 =	vld [tilespmem:s17+$0x3C00]  }
0x136: {  	s26 =	sshll.u32 s8, $0x6;
	v29 =	vshll.u32 v8, $0xC;
	v7 =	vadd.s32 v5, v1;
	v1 =	vmul.u32 $0x5556, v15;
	s20 =	sor.u32 $0x180, s25;
	v18 =	vld [tilespmem:s24+$0x3C80]  }
0x137: {  	s4 =	sadd.s32 $0x1800, s26;
	v13 =	vadd.s32 v5, v2;
	v17 =	vadd.s32 $0xC00, v12;
	v19 =	vadd.s32 $0x400, v12;
	v20 =	vld [tilespmem:s20+$0x3C00]  }
0x138: {  	s19 =	sor.u32 $0x100, s4;
	v12 =	vadd.s32 $0x800, v12;
	v24 =	vor.u32 v4, v5;
	v1 =	vshrl.u32 v1, $0x10;
	v23 =	vld [tilespmem:s16+$0x3C00]  }
0x139: {  	s6 =	sand.u32 $0x40, s6;
	s18 =	sor.u32 $0x180, s4;
	v24 =	vadd.s32 v2, v24;
	v2 =	vor.u32 v22, v14;
	v25 =	vmul.u32 $0xFFFFFFFD, v1;
	v26 =	vld [tilespmem:s19+$0x3C00]  }
0x13a: {  	s23 =	sor.u32 s6, s15;
	v6 =	vshll.u32 v6, $0xA;
	v31 =	vadd.s32 v29, v2;
	v28 =	vld [tilespmem:s18+$0x3C00]  }
0x13b: {  	v5 =	vand.u32 $0x7F, v1;
	v27 =	vand.u32 $0x7F80, v1;
	v15 =	vadd.s32 v15, v25;
	v25 =	vld [tilespmem:s23+$0x3C80]  }
0x13c: {  	v32 =	vadd.s32 $0xC00, v24;
	v50 =	vor.u32 v5, v27;
	v21 =	vshll.u32 v15, $0xC;
	v17 =	vld.idx.msk [tilespmem:v17+s13+$0x0], $0xffff  }
0x13d: {  	v33 =	vadd.s32 $0x800, v31;
	v19 =	vld.idx.msk [tilespmem:v19+s13+$0x0], $0xffff;
	v2 =	vadd.s32 v27, v21;
	v21 =	vadd.s32 v21, v50  }
0x13e: {  	v8 =	vshll.u32 v8, $0xA;
	v6 =	vadd.s32 v10, v6;
	v12 =	vld.idx.msk [tilespmem:v12+s13+$0x0], $0xffff;
	v38 =	vadd.s32 $0xC00, v21  }
0x13f: {  	s22 =	sor.u32 $0x100, s22;
	v39 =	vor.u32 v9, v11;
	v34 =	vld [tilespmem:s23+$0x3C00];
	v1 =	vsub.f32 v16, v3;
	v16 =	vadd.s32 $0x800, v24  }
0x140: {  	v40 =	vor.u32 v9, v6;
	v13 =	vor.u32 v4, v13;
	v29 =	vadd.s32 v14, v29;
	v11 =	vld [tilespmem:s22+$0x3C00]  }
0x141: {  	v36 =	vadd.s32 $0xC00, v31;
	v29 =	vor.u32 v22, v29;
	v15 =	vshll.u32 v15, $0xA;
	v9 =	vld.idx.msk [tilespmem:v32+s13+$0x0], $0xffff  }
0x142: {  	v27 =	vadd.s32 v27, v15;
	v33 =	vld.idx.msk [tilespmem:v33+s13+$0x0], $0xffff;
	v20 =	vsub.f32 v20, v18;
	v17 =	vmin.f32 v17, $4.135166650e+00  }
0x143: {  	v35 =	vor.u32 v5, v2;
	v37 =	vadd.s32 $0x400, v21;
	v17 =	vmul.f32 $1.442695020e+00, v17;
	v15 =	vld.idx.msk [tilespmem:v38+s13+$0x0], $0xffff  }
0x144: {  	v21 =	vadd.s32 $0x800, v21;
	v2 =	vsub.f32 v28, v25;
	v30 =	vmul.f32 $5.000000000e-01, v20;
	v16 =	vld.idx.msk [tilespmem:v16+s13+$0x0], $0xffff  }
0x145: {  	s29 =	sor.u32 $0x100, s25;
	v51 =	vld [tilespmem:s24+$0x3C00];
	v12 =	vmin.f32 v12, $4.135166650e+00;
	v11 =	vsub.f32 v11, v23;
	(erf) = vpow2.f32 v17  }
0x146: {  	v10 =	vld [tilespmem:s29+$0x3C00];
	v6 =	vmul.f32 $1.442695020e+00, v12;
	v17 =	vmul.f32 v20, v19;
	v18 =	vadd.f32 v30, v18  }
0x147: {  	s3 =	sadd.s32 $0x30, s3;
	v56 =	vmin.f32 v9, $4.135166650e+00;
	v52 =	vmul.f32 $5.000000000e-01, v1;
	v53 =	vmul.f32 $5.000000000e-01, v2;
	v19 =	vld.idx.msk [tilespmem:v36+s13+$0x0], $0xffff  }
0x148: {  	s1 =	sand.u32 $0x70, s14;
	s26 =	sor.u32 $0x100, s3;
	v13 =	vld.idx.msk [tilespmem:v13+s13+$0x0], $0xffff;
	(erf) = vpow2.f32 v6;
	v54 =	vadd.f32 v18, v17;
	v17 =	vmin.f32 v33, $4.135166650e+00  }
0x149: {  	s25 =	sor.u32 s15, s1;
	v55 =	vld [tilespmem:s26+$0x3C00];
	v15 =	vmin.f32 v15, $4.135166650e+00;
	v6 =	vmul.f32 $1.442695020e+00, v17;
	v16 =	vmin.f32 v16, $4.135166650e+00  }
0x14a: {  	v17 =	vld [tilespmem:s25+$0x3C00];
	v12 =	vmul.f32 $1.442695020e+00, v16;
	v16 =	vadd.s32 $0x400, v24;
	v24 =	vsub.f32 v26, v34  }
0x14b: {  	v18 =	vsub.f32 v10, v51;
	v10 =	vadd.f32 v53, v25;
	v15 =	vmul.f32 $1.442695020e+00, v15  }
0x14c: {  	v21 =	vld.idx.msk [tilespmem:v21+s13+$0x0], $0xffff;
	v19 =	vmin.f32 v19, $4.135166650e+00;
	(erf) = vpow2.f32 v12;
	v12 =	vmul.f32 $5.000000000e-01, v24  }
0x14d: {  	v57 =	vmul.f32 $5.000000000e-01, v18;
	v26 =	vadd.s32 $0x400, v31;
	(erf) = vpow2.f32 v6  }
0x14e: {  	v9 =	vpop (erf);
	v6 =	vadd.s32 v14, v8;
	v8 =	vmul.f32 $5.000000000e-01, v11;
	v12 =	vadd.f32 v12, v34  }
0x14f: {  	v25 =	vmul.f32 v24, v13;
	v20 =	vmul.f32 v20, v9;
	v13 =	vsub.f32 v55, v17;
	v14 =	vld.idx.msk [tilespmem:v39+s13+$0x0], $0xffff  }
0x150: {  	v58 =	vld.idx.msk [tilespmem:v35+s13+$0x0], $0xffff;
	v6 =	vor.u32 v22, v6;
	v9 =	vadd.f32 v8, v23;
	v8 =	vmul.f32 $1.442695020e+00, v19  }
0x151: {  	v59 =	vld.idx.msk [tilespmem:v29+s13+$0x0], $0xffff;
	v22 =	vmul.f32 $5.000000000e-01, v13;
	v60 =	vmul.f32 $5.000000000e-01, v20;
	v20 =	vmin.f32 v21, $4.135166650e+00  }
0x152: {  	v19 =	vld.idx.msk [tilespmem:v26+s13+$0x0], $0xffff;
	v23 =	vmul.f32 $1.442695020e+00, v56;
	v26 =	vadd.f32 v12, v25;
	(erf) = vpow2.f32 v8;
	v12 =	vpop (erf)  }
0x153: {  	s28 =	sor.u32 $0x180, s3;
	v20 =	vmul.f32 $1.442695020e+00, v20;
	v25 =	vadd.f32 v57, v51;
	v8 =	vld.idx.msk [tilespmem:v16+s13+$0x0], $0xffff;
	v16 =	vmul.f32 v18, v12  }
0x154: {  	v61 =	vld [tilespmem:s28+$0x3C00];
	(erf) = vpow2.f32 v23;
	v12 =	vor.u32 v4, v7;
	v4 =	vmul.f32 v18, v14  }
0x155: {  	v18 =	vld [tilespmem:s25+$0x3C80];
	v14 =	vmul.f32 $5.000000000e-01, v16;
	v16 =	vadd.f32 v22, v17;
	v17 =	vmul.f32 v13, v58  }
0x156: {  	v3 =	vadd.f32 v52, v3;
	v7 =	vpop (erf);
	(erf) = vpow2.f32 v15;
	v15 =	vmul.f32 v11, v59  }
0x157: {  	v22 =	vadd.f32 v25, v4;
	v21 =	vmul.f32 v24, v7;
	v7 =	vmul.f32 v1, v19  }
0x158: {  	v24 =	vsub.f32 v54, v60;
	(erf) = vpow2.f32 v20;
	v4 =	vadd.f32 v16, v17  }
0x159: {  	v23 =	vld.idx.msk [tilespmem:v37+s13+$0x0], $0xffff;
	v62 =	vsub.f32 v22, v14;
	v19 =	vadd.f32 v22, v14;
	v63 =	vmul.f32 $5.000000000e-01, v21  }
0x15a: {  	s30 =	simm.s32 $0x2;
	p0 =	por !p0, !p0;
	s31 =	simm.s32 $0x4;
	v20 =	vpop (erf);
	v16 =	vld.idx.msk [tilespmem:v40+s2+$0x0], $0xffff;
	v17 =	vmul.f32 v2, v8;
	v21 =	vadd.f32 v54, v60;
	v22 =	vsub.f32 v61, v18  }
0x15b: {  	s5 =	simm.s32 $0x670;
	s0 =	simm.s32 $0x60;
	s1 =	simm.s32 $0x1900;
	v8 =	vor.u32 v5, v27;
	[tilespmem:s24+$0x6C00] =	vst v62;
	v25 =	vsub.f32 v26, v63;
	v14 =	vadd.f32 v26, v63;
	v5 =	vpop (erf)  }
.LBB2_4:
0x15c: {  	s3 =	sadd.s32 $0xFFFFFFD0, s5;
	s4 =	sadd.s32 $0xFFFFFFE0, s5;
	s8 =	sadd.s32 $0xFFFFFFF0, s5;
	v12 =	vld.idx.msk [tilespmem:v12+s2+$0x0], $0xffff;
	v17 =	vadd.f32 v10, v17;
	[tilespmem:s24+$0x6C80] =	vst v24;
	v10 =	vadd.f32 v9, v15;
	v9 =	vmul.f32 $5.000000000e-01, v22  }
0x15d: {  	s6 =	sand.u32 $0x3E00, s1;
	v1 =	vmul.f32 v1, v5;
	v24 =	vor.u32 s3, v0;
	v26 =	vor.u32 s4, v0;
	s11 =	sand.u32 $0x50, s4;
	s4 =	sand.u32 $0x60, s8;
	[tilespmem:s23+$0x6C00] =	vst v25;
	v5 =	vpop (erf)  }
0x15e: {  	s0 =	sadd.s32 $0x4, s0;
	v15 =	vadd.f32 v3, v7;
	s10 =	sand.u32 $0x40, s3;
	v25 =	vmul.u32 $0x5556, v24;
	v27 =	vmul.u32 $0x5556, v26;
	s7 =	sor.u32 s6, s4  }
0x15f: {  	v7 =	vmul.f32 v11, v20;
	v28 =	vor.u32 s8, v0;
	p1 =	slt.u32 s0, $0xBC;
	v9 =	vadd.f32 v9, v18  }
0x160: {  	v23 =	vmul.f32 v22, v23;
	v20 =	vshrl.u32 v25, $0x10;
	v11 =	vshrl.u32 v27, $0x10;
	v3 =	vpop (erf)  }
0x161: {  	v18 =	vmul.u32 $0xFFFFFFFD, v20;
	v25 =	vmul.u32 $0xFFFFFFFD, v11;
	v27 =	vmul.f32 v22, v3  }
0x162: {  	v2 =	vmul.f32 v2, v5;
	v3 =	vand.u32 $0x7F, v11;
	v11 =	vand.u32 $0x7F80, v11;
	v5 =	vpop (erf)  }
0x163: {  	v23 =	vadd.f32 v9, v23;
	v22 =	vadd.s32 v24, v18;
	v18 =	vadd.s32 v26, v25  }
0x164: {  	v25 =	vmul.f32 v13, v5;
	v24 =	vshll.u32 v22, $0xC;
	v9 =	vshll.u32 v18, $0xC  }
0x165: {  	v26 =	vand.u32 $0x7F80, v20;
	v5 =	vor.u32 v3, v11;
	v13 =	vmul.f32 $5.000000000e-01, v7  }
0x166: {  	s9 =	simm.s32 $0x1;
	s3 =	sand.u32 $0x3, s30;
	v7 =	vshll.u32 v22, $0xA;
	v22 =	vadd.s32 v11, v9;
	v29 =	vadd.s32 v9, v5  }
0x167: {  	s8 =	sshra.s32 s21, $0x2;
	s4 =	sand.u32 $0x7, s31;
	s3 =	sshll.u32 s3, $0x5;
	v2 =	vmul.f32 $5.000000000e-01, v2;
	v5 =	vand.u32 $0x7F, v20;
	v30 =	vadd.s32 v26, v24;
	v9 =	vld [tilespmem:s7+$0x3C00]  }
0x168: {  	s9 =	simm.s32 @!p0 $0x0;
	v32 =	vmul.u32 $0x5556, v28;
	s4 =	sshll.u32 s4, $0x4;
	s3 =	sadd.s32 s1, s3;
	v31 =	vadd.s32 $0xC00, v29;
	v33 =	vld.idx.msk [tilespmem:v8+s2+$0x0], $0xffff;
	v8 =	vmul.f32 $5.000000000e-01, v27  }
0x169: {  	s14 =	sshll.u32 s9, $0x6;
	v34 =	vmul.f32 $5.000000000e-01, v1;
	s4 =	sadd.s32 s1, s4;
	s9 =	sadd.s32 $0x20, s3;
	v7 =	vadd.s32 v26, v7;
	v27 =	vadd.s32 $0x400, v29;
	[tilespmem:s29+$0x6C00] =	vst v19;
	v19 =	vld.idx.msk [tilespmem:v6+s2+$0x0], $0xffff  }
0x16a: {  	v35 =	vor.u32 s5, v0;
	s3 =	sadd.s32 $0x10, s4;
	s12 =	sor.u32 $0x100, s9;
	s9 =	sor.u32 $0x180, s9;
	v29 =	vadd.s32 $0x800, v29;
	v20 =	vld [tilespmem:s7+$0x3C80];
	[tilespmem:s20+$0x6C00] =	vst v21;
	v21 =	vadd.f32 v23, v8  }
0x16b: {  	v36 =	vmul.u32 $0x5556, v35;
	s24 =	sor.u32 s6, s11;
	s14 =	sadd.s32 s1, s14;
	v1 =	vshrl.u32 v32, $0x10;
	v37 =	vsub.f32 v17, v2;
	s20 =	sor.u32 $0x180, s3;
	v32 =	vld [tilespmem:s9+$0x3C00];
	[tilespmem:s8+$0x9C10] =	vst v16  }
0x16c: {  	s21 =	smov.u32 s1;
	s15 =	sor.u32 $0x100, s14;
	v39 =	vmul.u32 $0xFFFFFFFD, v1;
	s11 =	sadd.s32 $0x30, s4;
	v6 =	vand.u32 $0x7F, v1;
	v23 =	vsub.f32 v23, v8;
	v38 =	vld [tilespmem:s24+$0x3C80]  }
0x16d: {  	v26 =	vor.u32 v5, v26;
	v16 =	vand.u32 $0x7F80, v1;
	v1 =	vshrl.u32 v36, $0x10;
	v40 =	vld [tilespmem:s20+$0x3C00];
	[tilespmem:s23+$0x6C80] =	vst v37  }
0x16e: {  	v25 =	vmul.f32 $5.000000000e-01, v25;
	v8 =	vand.u32 $0x7F, v1;
	v37 =	vmul.u32 $0xFFFFFFFD, v1;
	v36 =	vld [tilespmem:s15+$0x3C00];
	[tilespmem:s25+$0x6C80] =	vst v23  }
0x16f: {  	s4 =	sor.u32 $0x180, s14;
	v23 =	vadd.s32 v24, v26;
	v26 =	vor.u32 v6, v16;
	v24 =	vld.idx.msk [tilespmem:v27+s13+$0x0], $0xffff;
	v27 =	vand.u32 $0x7F80, v1;
	[tilespmem:s19+$0x6C00] =	vst v14;
	s19 =	smov.u32 s15  }
0x170: {  	s23 =	sor.u32 s10, s6;
	v14 =	vld [tilespmem:s4+$0x3C00];
	v1 =	vsub.f32 v32, v20;
	v32 =	vadd.s32 v35, v37;
	v35 =	vsub.f32 v10, v13  }
0x171: {  	v30 =	vor.u32 v5, v30;
	v37 =	vadd.s32 $0x800, v23;
	v41 =	vld [tilespmem:s23+$0x3C80];
	v42 =	vshll.u32 v32, $0xC  }
0x172: {  	v28 =	vadd.s32 v28, v39;
	v39 =	vsub.f32 v4, v25;
	v31 =	vld.idx.msk [tilespmem:v31+s13+$0x0], $0xffff;
	v40 =	vsub.f32 v40, v38  }
0x173: {  	v43 =	vshll.u32 v28, $0xC;
	v4 =	vadd.f32 v4, v25;
	v32 =	vshll.u32 v32, $0xA;
	[tilespmem:s16+$0x6C00] =	vst v35  }
0x174: {  	v26 =	vadd.s32 v43, v26;
	v35 =	vadd.s32 v16, v43;
	v25 =	vld.idx.msk [tilespmem:v29+s13+$0x0], $0xffff;
	v29 =	vmul.f32 $5.000000000e-01, v40  }
0x175: {  	v45 =	vadd.s32 $0x800, v26;
	v46 =	vadd.s32 v27, v42;
	v43 =	vadd.s32 $0xC00, v23;
	v44 =	vld [tilespmem:s23+$0x3C00]  }
0x176: {  	v29 =	vadd.f32 v29, v38;
	v38 =	vor.u32 v8, v46;
	v46 =	vor.u32 v8, v27;
	[tilespmem:s25+$0x6C00] =	vst v39  }
0x177: {  	v17 =	vadd.f32 v17, v2;
	v39 =	vadd.s32 $0xC00, v26;
	v37 =	vld.idx.msk [tilespmem:v37+s13+$0x0], $0xffff;
	v42 =	vadd.s32 v42, v46;
	[tilespmem:s26+$0x6C00] =	vst v4  }
0x178: {  	v35 =	vor.u32 v6, v35;
	v2 =	vsub.f32 v14, v41;
	v46 =	vmul.f32 $5.000000000e-01, v1;
	v4 =	vld [tilespmem:s24+$0x3C00];
	[tilespmem:s28+$0x6C00] =	vst v21  }
0x179: {  	v14 =	vadd.s32 $0x400, v42;
	v21 =	vld.idx.msk [tilespmem:v30+s13+$0x0], $0xffff;
	v30 =	vmin.f32 v31, $4.135166650e+00;
	v31 =	vadd.s32 $0xC00, v42;
	[tilespmem:s8+$0x9C30] =	vst v33  }
0x17a: {  	s29 =	sor.u32 $0x100, s3;
	v42 =	vadd.s32 $0x800, v42;
	v30 =	vmul.f32 $1.442695020e+00, v30;
	v33 =	vld.idx.msk [tilespmem:v45+s13+$0x0], $0xffff;
	[tilespmem:s18+$0x6C00] =	vst v17;
	v17 =	vsub.f32 v15, v34;
	s18 =	smov.u32 s4  }
0x17b: {  	v18 =	vshll.u32 v18, $0xA;
	v22 =	vor.u32 v3, v22;
	v45 =	vld [tilespmem:s12+$0x3C00];
	[tilespmem:s8+$0x9C00] =	vst v12;
	v12 =	vadd.f32 v15, v34  }
0x17c: {  	v11 =	vadd.s32 v11, v18;
	v10 =	vadd.f32 v10, v13;
	v15 =	vld [tilespmem:s29+$0x3C00];
	(erf) = vpow2.f32 v30;
	[tilespmem:s16+$0x6C80] =	vst v17;
	s16 =	smov.u32 s7  }
0x17d: {  	v18 =	vmul.f32 v40, v24;
	v13 =	vmin.f32 v37, $4.135166650e+00;
	v17 =	vmin.f32 v25, $4.135166650e+00;
	v24 =	vld.idx.msk [tilespmem:v39+s13+$0x0], $0xffff  }
0x17e: {  	s3 =	sand.u32 $0x70, s5;
	v34 =	vor.u32 v3, v11;
	v30 =	vmul.f32 $5.000000000e-01, v2;
	v3 =	vmul.f32 $1.442695020e+00, v17;
	v25 =	vld.idx.msk [tilespmem:v43+s13+$0x0], $0xffff;
	[tilespmem:s22+$0x6C00] =	vst v10;
	s22 =	smov.u32 s12  }
0x17f: {  	v27 =	vadd.s32 v27, v32;
	s25 =	sor.u32 s6, s3;
	v29 =	vadd.f32 v29, v18;
	s28 =	sor.u32 $0x180, s11;
	v11 =	vmul.f32 $1.442695020e+00, v13;
	v13 =	vld.idx.msk [tilespmem:v31+s13+$0x0], $0xffff;
	[tilespmem:s17+$0x6C00] =	vst v12;
	s17 =	smov.u32 s9  }
0x180: {  	v12 =	vadd.s32 $0x400, v23;
	v10 =	vmin.f32 v33, $4.135166650e+00;
	v17 =	vld.idx.msk [tilespmem:v42+s13+$0x0], $0xffff;
	(erf) = vpow2.f32 v3;
	[tilespmem:s8+$0x9C20] =	vst v19  }
0x181: {  	s26 =	sor.u32 $0x100, s11;
	v19 =	vsub.f32 v36, v44;
	v3 =	vadd.f32 v46, v20;
	v18 =	vmul.f32 $1.442695020e+00, v10;
	v20 =	vld [tilespmem:s25+$0x3C00]  }
0x182: {  	v23 =	vadd.s32 $0x400, v26;
	v26 =	vshll.u32 v28, $0xA;
	v15 =	vsub.f32 v15, v4;
	v28 =	vld [tilespmem:s26+$0x3C00]  }
0x183: {  	v10 =	vadd.f32 v30, v41;
	v21 =	vmul.f32 v19, v21;
	(erf) = vpow2.f32 v11  }
0x184: {  	v30 =	vmul.f32 $5.000000000e-01, v19;
	v24 =	vmin.f32 v24, $4.135166650e+00;
	v11 =	vsub.f32 v45, v9  }
0x185: {  	v25 =	vmin.f32 v25, $4.135166650e+00;
	v32 =	vmin.f32 v13, $4.135166650e+00;
	v31 =	vld.idx.msk [tilespmem:v38+s13+$0x0], $0xffff;
	v13 =	vpop (erf);
	(erf) = vpow2.f32 v18  }
0x186: {  	v16 =	vadd.s32 v16, v26;
	v26 =	vmul.f32 $5.000000000e-01, v11;
	v18 =	vld.idx.msk [tilespmem:v22+s13+$0x0], $0xffff;
	v22 =	vmul.f32 v40, v13  }
0x187: {  	v33 =	vmul.f32 $5.000000000e-01, v15;
	v36 =	vadd.f32 v30, v44;
	v23 =	vld.idx.msk [tilespmem:v23+s13+$0x0], $0xffff;
	v13 =	vsub.f32 v28, v20  }
0x188: {  	v24 =	vmul.f32 $1.442695020e+00, v24;
	v9 =	vadd.f32 v26, v9;
	v26 =	vmul.f32 $1.442695020e+00, v32  }
0x189: {  	v4 =	vadd.f32 v33, v4;
	v28 =	vadd.f32 v36, v21;
	v21 =	vmul.f32 $1.442695020e+00, v25;
	v25 =	vld.idx.msk [tilespmem:v35+s13+$0x0], $0xffff;
	v30 =	vpop (erf)  }
0x18a: {  	v6 =	vor.u32 v6, v16;
	v16 =	vmul.f32 $5.000000000e-01, v13;
	(erf) = vpow2.f32 v24  }
0x18b: {  	v17 =	vmin.f32 v17, $4.135166650e+00;
	v22 =	vmul.f32 $5.000000000e-01, v22;
	v24 =	vmul.f32 v15, v30;
	v32 =	vld.idx.msk [tilespmem:v12+s13+$0x0], $0xffff  }
0x18c: {  	v12 =	vor.u32 v5, v7;
	v5 =	vmul.f32 v15, v18;
	v18 =	vld [tilespmem:s25+$0x3C80];
	v7 =	vpop (erf);
	(erf) = vpow2.f32 v21  }
0x18d: {  	v15 =	vadd.f32 v16, v20;
	v16 =	vmul.f32 v13, v31;
	v21 =	vmul.f32 $5.000000000e-01, v24;
	v30 =	vld [tilespmem:s28+$0x3C00]  }
0x18e: {  	v17 =	vmul.f32 $1.442695020e+00, v17;
	v19 =	vmul.f32 v19, v7;
	v5 =	vadd.f32 v4, v5;
	v20 =	vpop (erf)  }
.Ltmp1:
0x18f: {  	v7 =	vmul.f32 v1, v23;
	v4 =	vadd.f32 v15, v16;
	(erf) = vpow2.f32 v26;
	(pc) =	sbr.rel @p1 .LBB2_4-.Ltmp1, $4  }
0x190: {  	v24 =	vsub.f32 v29, v22;
	v15 =	vmul.f32 v11, v25;
	v26 =	vsub.f32 v5, v21  }
0x191: {  	v31 =	vmul.f32 $5.000000000e-01, v19;
	v19 =	vadd.f32 v5, v21;
	v16 =	vld.idx.msk [tilespmem:v34+s2+$0x0], $0xffff;
	(erf) = vpow2.f32 v17  }
0x192: {  	s30 =	sadd.s32 $0x2, s30;
	p0 =	por !p0, !p0;
	v21 =	vadd.f32 v29, v22;
	v17 =	vmul.f32 v2, v32;
	v23 =	vld.idx.msk [tilespmem:v14+s13+$0x0], $0xffff;
	v22 =	vsub.f32 v30, v18  }
0x193: {  	s31 =	sadd.s32 $0x4, s31;
	s1 =	sadd.s32 $0x100, s1;
	s5 =	sadd.s32 $0x40, s5;
	v8 =	vor.u32 v8, v27;
	v25 =	vsub.f32 v28, v31;
	v14 =	vadd.f32 v28, v31;
	[tilespmem:s24+$0x6C00] =	vst v26;
	v5 =	vpop (erf)  }
0x194: {  	_ =	sdelay $0x1  }
0x195: {  	v11 =	vmul.f32 v11, v20;
	v27 =	vpop (erf)  }
0x196: {  	v26 =	vmul.f32 $5.000000000e-01, v22;
	[tilespmem:s24+$0x6C80] =	vst v24;
	v2 =	vmul.f32 v2, v27  }
0x197: {  	v12 =	vld.idx.msk [tilespmem:v12+s2+$0x0], $0xffff;
	v9 =	vadd.f32 v9, v15;
	[tilespmem:s23+$0x6C00] =	vst v25;
	v11 =	vmul.f32 $5.000000000e-01, v11  }
0x198: {  	v10 =	vadd.f32 v10, v17;
	[tilespmem:s29+$0x6C00] =	vst v19;
	v18 =	vadd.f32 v26, v18;
	v53 =	vpop (erf);
	v2 =	vmul.f32 $5.000000000e-01, v2  }
0x199: {  	s0 =	sshra.s32 s21, $0x2;
	[tilespmem:s20+$0x6C00] =	vst v21;
	v23 =	vmul.f32 v22, v23;
	v59 =	vsub.f32 v9, v11;
	v54 =	vmul.f32 v22, v53  }
0x19a: {  	[tilespmem:s0+$0x9C10] =	vst v16;
	v57 =	vsub.f32 v10, v2  }
0x19b: {  	v6 =	vld.idx.msk [tilespmem:v6+s2+$0x0], $0xffff;
	v1 =	vmul.f32 v1, v5;
	v18 =	vadd.f32 v18, v23;
	v55 =	vpop (erf);
	[tilespmem:s16+$0x6C00] =	vst v59;
	v56 =	vmul.f32 $5.000000000e-01, v54  }
0x19c: {  	v2 =	vadd.f32 v10, v2;
	v13 =	vmul.f32 v13, v55;
	[tilespmem:s23+$0x6C80] =	vst v57  }
0x19d: {  	v3 =	vadd.f32 v3, v7;
	v1 =	vmul.f32 $5.000000000e-01, v1;
	v58 =	vsub.f32 v18, v56;
	[tilespmem:s19+$0x6C00] =	vst v14  }
0x19e: {  	v13 =	vmul.f32 $5.000000000e-01, v13;
	[tilespmem:s18+$0x6C00] =	vst v2  }
0x19f: {  	v8 =	vld.idx.msk [tilespmem:v8+s2+$0x0], $0xffff;
	v2 =	vsub.f32 v3, v1;
	[tilespmem:s25+$0x6C80] =	vst v58  }
0x1a0: {  	v60 =	vsub.f32 v4, v13;
	[tilespmem:s0+$0x9C00] =	vst v12  }
0x1a1: {  	v63 =	vadd.f32 v9, v11;
	[tilespmem:s16+$0x6C80] =	vst v2  }
0x1a2: {  	v61 =	vadd.f32 v4, v13;
	[tilespmem:s25+$0x6C00] =	vst v60  }
0x1a3: {  	v1 =	vadd.f32 v3, v1;
	[tilespmem:s22+$0x6C00] =	vst v63  }
0x1a4: {  	v62 =	vadd.f32 v18, v56;
	[tilespmem:s26+$0x6C00] =	vst v61  }
0x1a5: {  	[tilespmem:s17+$0x6C00] =	vst v1  }
0x1a6: {  	[tilespmem:s28+$0x6C00] =	vst v62  }
0x1a7: {  	[tilespmem:s0+$0x9C20] =	vst v6  }
0x1a8: {  	[tilespmem:s0+$0x9C30] =	vst v8  }
0x1a9: {  	s1 =	simm.s32 $0x8400;
	s0 =	rddreg [dreg:$0xe]  }
0x1aa: {  	[hbm4b:s0+s2] =	stream.linear.scatter [tilespmem:s1], [sflag:$0x1], $0x1800, $0x38;
	[tilespmem:$0xA800] =	vst v63  }
0x1ab: {  	s5 =	simm.s32 $0x1;
	s29 =	simm.s32 $0xA200;
	s28 =	rddreg [dreg:$0xf]  }
0x1ac: {  	[hbm4b:s28+s2] =	stream.linear.scatter [tilespmem:s29], [sflag:$0x1], $0x600, $0x38;
	[tilespmem:$0xA800] =	vst v63  }
0x1ad: {  	_ =	swait.ge [sflag:s5], $0x1800  }
0x1ae: {  	[sflag:s5] =	ssyncset.done $0x0  }
0x1af: {  	[sflag:s5] =	ssyncadd.s32 $0xFFFFE800  }
0x1b0: {  	_ =	swait.ge [sflag:s5], $0x600  }
0x1b1: {  	[sflag:s5] =	ssyncset.done $0x0  }
0x1b2: {  	[sflag:s5] =	ssyncadd.s32 $0xFFFFFA00  }
0x1b3: {  	_ =	swait.ge [sflag:s5], $0x1800  }
0x1b4: {  	[sflag:s5] =	ssyncset.done $0x0  }
0x1b5: {  	[sflag:s5] =	ssyncadd.s32 $0xFFFFE800  }
0x1b6: {  	_ =	swait.ge [sflag:s5], $0x600  }
0x1b7: {  	s30 =	sld [smem:$0x7F2];
	_ =	sdelay $0x2  }
0x1b8: {  	s31 =	rddreg [dreg:$0x10];
	s1 =	sadd.s32 $0x1, s30  }
0x1b9: {  	p0 =	sne.s32 s1, s31  }
.Ltmp2:
0x1ba: {  	_ = 	snop;
	(pc) =	sbr.rel @p0 .LBB2_1-.Ltmp2, $3  }
0x1bb: {  	_ =	sdelay $0x1  }
0x1bc: {  	[sflag:s5] =	ssyncset.done $0x0  }
0x1bd: {  	[sflag:s5] =	ssyncadd.s32 $0xFFFFFA00  }
0x1be: {  	_ =	sfence.sel $0x180000  }
0x1bf: {  	[bflag:$0x0] =	sbarrier.arrive $0xFFFF  }
0x1c0: {  	_ =	strace $0x90000047  }
0x1c1: {  	s0 =	stileid.u32;
	[bflag:$0x2] =	sbarrier.arrive $0xFFFF  }
0x1c2: {  	p0 =	sne.s32 s0, $0x0;
	s0 =	rddreg [dreg:$0x5]  }
0x1c3: {  	s0 =	sadd.s32 @!p0 $0x100000, s0  }
0x1c4: {  	[sflag:s0] =	ssyncadd.tile.s32 @!p0 $0x1;
	_ =	shalt  }
.Lfunc_end2:
_tile_overlayer_lowered:
.L_overlay_start_2:
0x1c5: {  	(tag) =	ssettag $0x2  }
0x1c6: {  	s0 =	rddreg [dreg:$0x0];
	s2 =	stileid.u32  }
0x1c7: {  	s1 =	rddreg [dreg:$0x1];
	p0 =	sne.s32 s2, $0x0  }
0x1c8: {  	s3 =	rddreg [dreg:$0x2];
	[bflag:$0x3] =	sbarrier.arrive $0xFFFF;
	s2 =	simm.s32 @!p0 $0x1C02  }
0x1c9: {  	[timem:s3], [sflag:s2] =	dma.local @!p0 [hbm:s0], s1  }
0x1ca: {  	s0 =	simm.s32 @!p0 $0x2  }
0x1cb: {  	_ =	swait.ge @!p0 [sflag:s0], s1  }
0x1cc: {  	s1 =	ssub.s32 @!p0 $0x0, s1;
	[sflag:s0] =	ssyncset.done @!p0 $0x0  }
0x1cd: {  	[sflag:s0] =	ssyncadd.s32 @!p0 s1  }
0x1ce: {  	[bflag:$0x3] =	sbarrier.arrive $0xFFFF  }
0x1cf: {  	_ =	shalt  }

</sc_bundles>
